<compile_context>
chip_gen: v7x
topology: tpu7x:2x2x1
jax: 0.10.2.dev20260603
libtpu: 0.0.44.dev20260713+nightly
codegen_flags: <defaults>
</compile_context>

<pallas_src>
import functools

import jax
import jax.numpy as jnp
from jax import lax
from jax.experimental import pallas as pl
from jax.experimental.pallas import tpu as pltpu
from jax.experimental.pallas import tpu_sc as plsc

L = 16
W = 16


def _sc_body(n_pad, e_per_tile, n_nodes, d_feat,
             flat_hbm, src_hbm, dst_hbm, w_hbm, out_hbm,
             v_loc, acc, srcb, dstb, wb, eidx, vch, m2, pbuf, fbuf, obuf,
             shared_v, shared_accs, shared_part, sem):
    tid = lax.axis_index("s")
    rows_per_tile = n_pad // W
    n_row_chunks = rows_per_tile // 128

    ebase = tid * e_per_tile
    cp_src = pltpu.async_copy(src_hbm.at[pl.ds(ebase, e_per_tile)], srcb, sem)
    cp_dst = pltpu.async_copy(dst_hbm.at[pl.ds(ebase, e_per_tile)], dstb, sem)
    cp_w = pltpu.async_copy(w_hbm.at[pl.ds(ebase, e_per_tile)], wb, sem)

    iota = lax.iota(jnp.int32, L)
    for j in range(n_row_chunks):
        for k in range(128 // L):
            base = tid * rows_per_tile + j * 128 + k * L
            rows = base + iota
            idx = jnp.minimum(rows, n_nodes - 1) * d_feat
            eidx[j, pl.ds(k * L, L)] = idx
    gathers = [pltpu.async_copy(flat_hbm.at[eidx.at[j]], vch.at[j], sem)
               for j in range(n_row_chunks)]
    for g in gathers:
        g.wait()
    for j in range(n_row_chunks):
        pltpu.sync_copy(vch.at[j],
                        shared_v.at[pl.ds(tid * rows_per_tile + j * 128, 128)])
    plsc.subcore_barrier()
    pltpu.sync_copy(shared_v, v_loc)

    zeros = jnp.zeros((L,), jnp.float32)

    def zero_body(i, _):
        for u in range(8):
            acc[pl.ds((i * 8 + u) * L, L)] = zeros
        return 0
    lax.fori_loop(0, n_pad // L // 8, zero_body, 0)

    cp_src.wait()
    cp_dst.wait()
    cp_w.wait()

    @plsc.parallel_loop(0, e_per_tile // L, unroll=8)
    def edge_body(i):
        sl = pl.ds(i * L, L)
        s = srcb[sl]
        vv = plsc.load_gather(v_loc, [s])
        m = vv * wb[sl]
        d = dstb[sl]
        plsc.addupdate_scatter(acc, [d], m)

    pltpu.sync_copy(acc, shared_accs.at[tid])
    plsc.subcore_barrier()

    pltpu.sync_copy(shared_accs.at[:, pl.ds(tid * rows_per_tile,
                                            rows_per_tile)], m2)

    def red_body(k, vec):
        col = pl.ds(k * L, L)
        t = m2[0, col]
        for r in range(1, W):
            t = t + m2[r, col]
        return vec + jnp.maximum(t, 0.0)
    part = lax.fori_loop(0, rows_per_tile // L, red_body, zeros)

    pbuf[...] = part
    pltpu.sync_copy(pbuf, shared_part.at[tid])
    plsc.subcore_barrier()

    @pl.when(tid == 0)
    def _():
        pltpu.sync_copy(shared_part, fbuf)
        tot = fbuf[0, :]
        for r in range(1, W):
            tot = tot + fbuf[r, :]
        s = jnp.sum(tot)
        sv = jnp.full((L,), s, jnp.float32)
        obuf[...] = 1.0 / (1.0 + jnp.exp(-sv))
        pltpu.sync_copy(obuf, out_hbm)


def kernel(layer_input, edge_index, w, ones):
    n_nodes, d_feat = layer_input.shape
    n_edges = edge_index.shape[1]
    del ones

    e_per_tile = n_edges // W
    n_pad = ((n_nodes + W * 128 - 1) // (W * 128)) * (W * 128)
    n_row_chunks = (n_pad // W) // 128

    flat = layer_input.reshape(-1)
    dst = edge_index[0]
    src = edge_index[1]
    wf = w.reshape(-1)

    mesh = plsc.VectorSubcoreMesh(core_axis_name="c", subcore_axis_name="s",
                                  num_cores=1)
    body = functools.partial(_sc_body, n_pad, e_per_tile, n_nodes, d_feat)
    sc = pl.kernel(
        body,
        out_type=jax.ShapeDtypeStruct((L,), jnp.float32),
        mesh=mesh,
        compiler_params=pltpu.CompilerParams(needs_layout_passes=False),
        scratch_types=[
            pltpu.VMEM((n_pad,), jnp.float32),
            pltpu.VMEM((n_pad,), jnp.float32),
            pltpu.VMEM((e_per_tile,), jnp.int32),
            pltpu.VMEM((e_per_tile,), jnp.int32),
            pltpu.VMEM((e_per_tile,), jnp.float32),
            pltpu.VMEM((n_row_chunks, 128), jnp.int32),
            pltpu.VMEM((n_row_chunks, 128), jnp.float32),
            pltpu.VMEM((W, n_pad // W), jnp.float32),
            pltpu.VMEM((L,), jnp.float32),
            pltpu.VMEM((W, L), jnp.float32),
            pltpu.VMEM((L,), jnp.float32),
            pltpu.VMEM_SHARED((n_pad,), jnp.float32),
            pltpu.VMEM_SHARED((W, n_pad), jnp.float32),
            pltpu.VMEM_SHARED((W, L), jnp.float32),
            pltpu.SemaphoreType.DMA,
        ],
    )
    out = sc(flat, src, dst, wf)
    return out[0]

# --- scband reference (transcript-rebuilt; emitter-appended) ---
"""Pipeline reference for scband-graph-edge-wise-attention-39127152066908 (READ-ONLY COPY).

The authoritative reference and input builder live on the scoring server;
editing this copy changes nothing except your own understanding.
"""

import jax, jax.numpy as jnp
import numpy as np

N_NODES = 10000
N_EDGES = 320000
D_FEAT = 128
OUT_DIM = 128


def setup_inputs(seed: int = 0) -> dict:
    key = jax.random.key(seed)
    k1, k2, k3 = jax.random.split(key, 3)
    layer_input = jax.random.normal(k1, (N_NODES, D_FEAT), dtype=jnp.float32)
    # adjacency nonzero coordinates: row 0 = dst (row index of sparse adj), row 1 = src (col index)
    edge_index = jax.random.randint(k2, (2, N_EDGES), 0, N_NODES, dtype=jnp.int32)
    # learned edge weights w ~ U(0,1), matches nn.init.uniform_(self.w.data, 0, 1)
    w = jax.random.uniform(k3, (N_EDGES, 1), dtype=jnp.float32)
    # fixed ones buffer (out_dim, n_nodes)
    ones = jnp.ones((OUT_DIM, N_NODES), dtype=jnp.float32)
    return {"layer_input": layer_input, "edge_index": edge_index, "w": w, "ones": ones}


def reference(layer_input, edge_index, w, ones):
    dst = edge_index[0]
    src = edge_index[1]
    # torch.sparse.mm(adj, layer_input): out[dst] += w_e * layer_input[src]
    msgs = w * jnp.take(layer_input, src, axis=0)  # (E, D)
    agg = jax.ops.segment_sum(msgs, dst, num_segments=N_NODES)  # (N, D)
    x = jax.nn.relu(agg)
    out = jax.nn.sigmoid(jnp.matmul(ones, x))[0][0]
    return out

if __name__ == "__main__":
    import jax
    _d = setup_inputs()
    print(jax.jit(kernel)(*tuple(_d.values())))

</pallas_src>

<mosaic_0001>
#map = affine_map<(d0, d1) -> (0)>
module attributes {stable_mosaic.version = 14 : i64} {
  func.func @_sc_body(%arg0: i32, %arg1: i32, %arg2: memref<1280000xf32, #tpu.memory_space<hbm>>, %arg3: memref<320000xi32, #tpu.memory_space<hbm>>, %arg4: memref<320000xi32, #tpu.memory_space<hbm>>, %arg5: memref<320000xf32, #tpu.memory_space<hbm>>, %arg6: memref<16xf32, #tpu.memory_space<hbm>>, %arg7: memref<10240xf32, #tpu.memory_space<vmem>>, %arg8: memref<10240xf32, #tpu.memory_space<vmem>>, %arg9: memref<20000xi32, #tpu.memory_space<vmem>>, %arg10: memref<20000xi32, #tpu.memory_space<vmem>>, %arg11: memref<20000xf32, #tpu.memory_space<vmem>>, %arg12: memref<5x128xi32, #tpu.memory_space<vmem>>, %arg13: memref<5x128xf32, #tpu.memory_space<vmem>>, %arg14: memref<16x640xf32, #tpu.memory_space<vmem>>, %arg15: memref<16xf32, #tpu.memory_space<vmem>>, %arg16: memref<16x16xf32, #tpu.memory_space<vmem>>, %arg17: memref<16xf32, #tpu.memory_space<vmem>>, %arg18: memref<10240xf32, #tpu.memory_space<vmem_shared>>, %arg19: memref<16x10240xf32, #tpu.memory_space<vmem_shared>>, %arg20: memref<16x16xf32, #tpu.memory_space<vmem_shared>>, %arg21: memref<!tpu.dma_semaphore, #tpu.memory_space<semaphore_mem>>) attributes {dimension_semantics = [#tpu.dimension_semantics<core_parallel>, #tpu.dimension_semantics<subcore_parallel>], iteration_bounds = array<i64: 1, 16>, scalar_prefetch = 0 : i64, scratch_operands = 15 : i64, tpu.core_type = #tpu.core_type<sc_vector_subcore>, window_params = [{transform_indices = #map}, {transform_indices = #map}, {transform_indices = #map}, {transform_indices = #map}, {transform_indices = #map}]} {
    %mul3A = arith.constant 20000 : i32
    %mul3A_0 = arith.muli %arg1, %mul3A : i32
    %dma_start3A = tpu.memref_slice %arg3[%mul3A_0] : memref<320000xi32, #tpu.memory_space<hbm>> -> memref<20000xi32, #tpu.memory_space<hbm>>
    %dma_start3A_1 = tpu.memref_slice %arg3[%mul3A_0] : memref<320000xi32, #tpu.memory_space<hbm>> -> memref<20000xi32, #tpu.memory_space<hbm>>
    tpu.enqueue_dma source(%dma_start3A_1 : memref<20000xi32, #tpu.memory_space<hbm>>) target(%arg9 : memref<20000xi32, #tpu.memory_space<vmem>>) target_semaphore(%arg21 : memref<!tpu.dma_semaphore, #tpu.memory_space<semaphore_mem>>)
    %dma_start3A_2 = tpu.memref_slice %arg4[%mul3A_0] : memref<320000xi32, #tpu.memory_space<hbm>> -> memref<20000xi32, #tpu.memory_space<hbm>>
    %dma_start3A_3 = tpu.memref_slice %arg4[%mul3A_0] : memref<320000xi32, #tpu.memory_space<hbm>> -> memref<20000xi32, #tpu.memory_space<hbm>>
    tpu.enqueue_dma source(%dma_start3A_3 : memref<20000xi32, #tpu.memory_space<hbm>>) target(%arg10 : memref<20000xi32, #tpu.memory_space<vmem>>) target_semaphore(%arg21 : memref<!tpu.dma_semaphore, #tpu.memory_space<semaphore_mem>>)
    %dma_start3A_4 = tpu.memref_slice %arg5[%mul3A_0] : memref<320000xf32, #tpu.memory_space<hbm>> -> memref<20000xf32, #tpu.memory_space<hbm>>
    %dma_start3A_5 = tpu.memref_slice %arg5[%mul3A_0] : memref<320000xf32, #tpu.memory_space<hbm>> -> memref<20000xf32, #tpu.memory_space<hbm>>
    tpu.enqueue_dma source(%dma_start3A_5 : memref<20000xf32, #tpu.memory_space<hbm>>) target(%arg11 : memref<20000xf32, #tpu.memory_space<vmem>>) target_semaphore(%arg21 : memref<!tpu.dma_semaphore, #tpu.memory_space<semaphore_mem>>)
    %iota3A = tpu.iota {dimensions = array<i32: 0>} : vector<16xi32>
    %mul3A_6 = arith.constant 640 : i32
    %mul3A_7 = arith.muli %arg1, %mul3A_6 : i32
    %add3A = arith.constant 0 : i32
    %add3A_8 = arith.addi %mul3A_7, %add3A : i32
    %add3A_9 = arith.constant 0 : i32
    %add3A_10 = arith.addi %add3A_8, %add3A_9 : i32
    %add3A_11 = vector.broadcast %add3A_10 : i32 to vector<16xi32>
    %add3A_12 = arith.addi %add3A_11, %iota3A : vector<16xi32>
    %min3A = arith.constant 9999 : i32
    %min3A_13 = vector.broadcast %min3A : i32 to vector<16xi32>
    %min3A_14 = arith.minsi %add3A_12, %min3A_13 : vector<16xi32>
    %mul3A_15 = arith.constant 128 : i32
    %mul3A_16 = vector.broadcast %mul3A_15 : i32 to vector<16xi32>
    %mul3A_17 = arith.muli %min3A_14, %mul3A_16 : vector<16xi32>
    %swap3A = arith.constant 0 : i32
    %swap3A_18 = arith.index_cast %swap3A : i32 to index
    %swap3A_19 = arith.constant 0 : index
    %swap3A_20 = tpu.vector_load %arg12[%swap3A_18, %swap3A_19] {strides = array<i32>} : memref<5x128xi32, #tpu.memory_space<vmem>>, vector<16xi32>,
    tpu.vector_store %arg12[%swap3A_18, %swap3A_19], %mul3A_17 {strides = array<i32>} : memref<5x128xi32, #tpu.memory_space<vmem>>, vector<16xi32>,
    %mul3A_21 = arith.constant 640 : i32
    %mul3A_22 = arith.muli %arg1, %mul3A_21 : i32
    %add3A_23 = arith.constant 0 : i32
    %add3A_24 = arith.addi %mul3A_22, %add3A_23 : i32
    %add3A_25 = arith.constant 16 : i32
    %add3A_26 = arith.addi %add3A_24, %add3A_25 : i32
    %add3A_27 = vector.broadcast %add3A_26 : i32 to vector<16xi32>
    %add3A_28 = arith.addi %add3A_27, %iota3A : vector<16xi32>
    %min3A_29 = arith.constant 9999 : i32
    %min3A_30 = vector.broadcast %min3A_29 : i32 to vector<16xi32>
    %min3A_31 = arith.minsi %add3A_28, %min3A_30 : vector<16xi32>
    %mul3A_32 = arith.constant 128 : i32
    %mul3A_33 = vector.broadcast %mul3A_32 : i32 to vector<16xi32>
    %mul3A_34 = arith.muli %min3A_31, %mul3A_33 : vector<16xi32>
    %swap3A_35 = arith.constant 0 : i32
    %swap3A_36 = arith.index_cast %swap3A_35 : i32 to index
    %swap3A_37 = arith.constant 16 : index
    %swap3A_38 = tpu.vector_load %arg12[%swap3A_36, %swap3A_37] {strides = array<i32>} : memref<5x128xi32, #tpu.memory_space<vmem>>, vector<16xi32>,
    tpu.vector_store %arg12[%swap3A_36, %swap3A_37], %mul3A_34 {strides = array<i32>} : memref<5x128xi32, #tpu.memory_space<vmem>>, vector<16xi32>,
    %mul3A_39 = arith.constant 640 : i32
    %mul3A_40 = arith.muli %arg1, %mul3A_39 : i32
    %add3A_41 = arith.constant 0 : i32
    %add3A_42 = arith.addi %mul3A_40, %add3A_41 : i32
    %add3A_43 = arith.constant 32 : i32
    %add3A_44 = arith.addi %add3A_42, %add3A_43 : i32
    %add3A_45 = vector.broadcast %add3A_44 : i32 to vector<16xi32>
    %add3A_46 = arith.addi %add3A_45, %iota3A : vector<16xi32>
    %min3A_47 = arith.constant 9999 : i32
    %min3A_48 = vector.broadcast %min3A_47 : i32 to vector<16xi32>
    %min3A_49 = arith.minsi %add3A_46, %min3A_48 : vector<16xi32>
    %mul3A_50 = arith.constant 128 : i32
    %mul3A_51 = vector.broadcast %mul3A_50 : i32 to vector<16xi32>
    %mul3A_52 = arith.muli %min3A_49, %mul3A_51 : vector<16xi32>
    %swap3A_53 = arith.constant 0 : i32
    %swap3A_54 = arith.index_cast %swap3A_53 : i32 to index
    %swap3A_55 = arith.constant 32 : index
    %swap3A_56 = tpu.vector_load %arg12[%swap3A_54, %swap3A_55] {strides = array<i32>} : memref<5x128xi32, #tpu.memory_space<vmem>>, vector<16xi32>,
    tpu.vector_store %arg12[%swap3A_54, %swap3A_55], %mul3A_52 {strides = array<i32>} : memref<5x128xi32, #tpu.memory_space<vmem>>, vector<16xi32>,
    %mul3A_57 = arith.constant 640 : i32
    %mul3A_58 = arith.muli %arg1, %mul3A_57 : i32
    %add3A_59 = arith.constant 0 : i32
    %add3A_60 = arith.addi %mul3A_58, %add3A_59 : i32
    %add3A_61 = arith.constant 48 : i32
    %add3A_62 = arith.addi %add3A_60, %add3A_61 : i32
    %add3A_63 = vector.broadcast %add3A_62 : i32 to vector<16xi32>
    %add3A_64 = arith.addi %add3A_63, %iota3A : vector<16xi32>
    %min3A_65 = arith.constant 9999 : i32
    %min3A_66 = vector.broadcast %min3A_65 : i32 to vector<16xi32>
    %min3A_67 = arith.minsi %add3A_64, %min3A_66 : vector<16xi32>
    %mul3A_68 = arith.constant 128 : i32
    %mul3A_69 = vector.broadcast %mul3A_68 : i32 to vector<16xi32>
    %mul3A_70 = arith.muli %min3A_67, %mul3A_69 : vector<16xi32>
    %swap3A_71 = arith.constant 0 : i32
    %swap3A_72 = arith.index_cast %swap3A_71 : i32 to index
    %swap3A_73 = arith.constant 48 : index
    %swap3A_74 = tpu.vector_load %arg12[%swap3A_72, %swap3A_73] {strides = array<i32>} : memref<5x128xi32, #tpu.memory_space<vmem>>, vector<16xi32>,
    tpu.vector_store %arg12[%swap3A_72, %swap3A_73], %mul3A_70 {strides = array<i32>} : memref<5x128xi32, #tpu.memory_space<vmem>>, vector<16xi32>,
    %mul3A_75 = arith.constant 640 : i32
    %mul3A_76 = arith.muli %arg1, %mul3A_75 : i32
    %add3A_77 = arith.constant 0 : i32
    %add3A_78 = arith.addi %mul3A_76, %add3A_77 : i32
    %add3A_79 = arith.constant 64 : i32
    %add3A_80 = arith.addi %add3A_78, %add3A_79 : i32
    %add3A_81 = vector.broadcast %add3A_80 : i32 to vector<16xi32>
    %add3A_82 = arith.addi %add3A_81, %iota3A : vector<16xi32>
    %min3A_83 = arith.constant 9999 : i32
    %min3A_84 = vector.broadcast %min3A_83 : i32 to vector<16xi32>
    %min3A_85 = arith.minsi %add3A_82, %min3A_84 : vector<16xi32>
    %mul3A_86 = arith.constant 128 : i32
    %mul3A_87 = vector.broadcast %mul3A_86 : i32 to vector<16xi32>
    %mul3A_88 = arith.muli %min3A_85, %mul3A_87 : vector<16xi32>
    %swap3A_89 = arith.constant 0 : i32
    %swap3A_90 = arith.index_cast %swap3A_89 : i32 to index
    %swap3A_91 = arith.constant 64 : index
    %swap3A_92 = tpu.vector_load %arg12[%swap3A_90, %swap3A_91] {strides = array<i32>} : memref<5x128xi32, #tpu.memory_space<vmem>>, vector<16xi32>,
    tpu.vector_store %arg12[%swap3A_90, %swap3A_91], %mul3A_88 {strides = array<i32>} : memref<5x128xi32, #tpu.memory_space<vmem>>, vector<16xi32>,
    %mul3A_93 = arith.constant 640 : i32
    %mul3A_94 = arith.muli %arg1, %mul3A_93 : i32
    %add3A_95 = arith.constant 0 : i32
    %add3A_96 = arith.addi %mul3A_94, %add3A_95 : i32
    %add3A_97 = arith.constant 80 : i32
    %add3A_98 = arith.addi %add3A_96, %add3A_97 : i32
    %add3A_99 = vector.broadcast %add3A_98 : i32 to vector<16xi32>
    %add3A_100 = arith.addi %add3A_99, %iota3A : vector<16xi32>
    %min3A_101 = arith.constant 9999 : i32
    %min3A_102 = vector.broadcast %min3A_101 : i32 to vector<16xi32>
    %min3A_103 = arith.minsi %add3A_100, %min3A_102 : vector<16xi32>
    %mul3A_104 = arith.constant 128 : i32
    %mul3A_105 = vector.broadcast %mul3A_104 : i32 to vector<16xi32>
    %mul3A_106 = arith.muli %min3A_103, %mul3A_105 : vector<16xi32>
    %swap3A_107 = arith.constant 0 : i32
    %swap3A_108 = arith.index_cast %swap3A_107 : i32 to index
    %swap3A_109 = arith.constant 80 : index
    %swap3A_110 = tpu.vector_load %arg12[%swap3A_108, %swap3A_109] {strides = array<i32>} : memref<5x128xi32, #tpu.memory_space<vmem>>, vector<16xi32>,
    tpu.vector_store %arg12[%swap3A_108, %swap3A_109], %mul3A_106 {strides = array<i32>} : memref<5x128xi32, #tpu.memory_space<vmem>>, vector<16xi32>,
    %mul3A_111 = arith.constant 640 : i32
    %mul3A_112 = arith.muli %arg1, %mul3A_111 : i32
    %add3A_113 = arith.constant 0 : i32
    %add3A_114 = arith.addi %mul3A_112, %add3A_113 : i32
    %add3A_115 = arith.constant 96 : i32
    %add3A_116 = arith.addi %add3A_114, %add3A_115 : i32
    %add3A_117 = vector.broadcast %add3A_116 : i32 to vector<16xi32>
    %add3A_118 = arith.addi %add3A_117, %iota3A : vector<16xi32>
    %min3A_119 = arith.constant 9999 : i32
    %min3A_120 = vector.broadcast %min3A_119 : i32 to vector<16xi32>
    %min3A_121 = arith.minsi %add3A_118, %min3A_120 : vector<16xi32>
    %mul3A_122 = arith.constant 128 : i32
    %mul3A_123 = vector.broadcast %mul3A_122 : i32 to vector<16xi32>
    %mul3A_124 = arith.muli %min3A_121, %mul3A_123 : vector<16xi32>
    %swap3A_125 = arith.constant 0 : i32
    %swap3A_126 = arith.index_cast %swap3A_125 : i32 to index
    %swap3A_127 = arith.constant 96 : index
    %swap3A_128 = tpu.vector_load %arg12[%swap3A_126, %swap3A_127] {strides = array<i32>} : memref<5x128xi32, #tpu.memory_space<vmem>>, vector<16xi32>,
    tpu.vector_store %arg12[%swap3A_126, %swap3A_127], %mul3A_124 {strides = array<i32>} : memref<5x128xi32, #tpu.memory_space<vmem>>, vector<16xi32>,
    %mul3A_129 = arith.constant 640 : i32
    %mul3A_130 = arith.muli %arg1, %mul3A_129 : i32
    %add3A_131 = arith.constant 0 : i32
    %add3A_132 = arith.addi %mul3A_130, %add3A_131 : i32
    %add3A_133 = arith.constant 112 : i32
    %add3A_134 = arith.addi %add3A_132, %add3A_133 : i32
    %add3A_135 = vector.broadcast %add3A_134 : i32 to vector<16xi32>
    %add3A_136 = arith.addi %add3A_135, %iota3A : vector<16xi32>
    %min3A_137 = arith.constant 9999 : i32
    %min3A_138 = vector.broadcast %min3A_137 : i32 to vector<16xi32>
    %min3A_139 = arith.minsi %add3A_136, %min3A_138 : vector<16xi32>
    %mul3A_140 = arith.constant 128 : i32
    %mul3A_141 = vector.broadcast %mul3A_140 : i32 to vector<16xi32>
    %mul3A_142 = arith.muli %min3A_139, %mul3A_141 : vector<16xi32>
    %swap3A_143 = arith.constant 0 : i32
    %swap3A_144 = arith.index_cast %swap3A_143 : i32 to index
    %swap3A_145 = arith.constant 112 : index
    %swap3A_146 = tpu.vector_load %arg12[%swap3A_144, %swap3A_145] {strides = array<i32>} : memref<5x128xi32, #tpu.memory_space<vmem>>, vector<16xi32>,
    tpu.vector_store %arg12[%swap3A_144, %swap3A_145], %mul3A_142 {strides = array<i32>} : memref<5x128xi32, #tpu.memory_space<vmem>>, vector<16xi32>,
    %mul3A_147 = arith.constant 640 : i32
    %mul3A_148 = arith.muli %arg1, %mul3A_147 : i32
    %add3A_149 = arith.constant 128 : i32
    %add3A_150 = arith.addi %mul3A_148, %add3A_149 : i32
    %add3A_151 = arith.constant 0 : i32
    %add3A_152 = arith.addi %add3A_150, %add3A_151 : i32
    %add3A_153 = vector.broadcast %add3A_152 : i32 to vector<16xi32>
    %add3A_154 = arith.addi %add3A_153, %iota3A : vector<16xi32>
    %min3A_155 = arith.constant 9999 : i32
    %min3A_156 = vector.broadcast %min3A_155 : i32 to vector<16xi32>
    %min3A_157 = arith.minsi %add3A_154, %min3A_156 : vector<16xi32>
    %mul3A_158 = arith.constant 128 : i32
    %mul3A_159 = vector.broadcast %mul3A_158 : i32 to vector<16xi32>
    %mul3A_160 = arith.muli %min3A_157, %mul3A_159 : vector<16xi32>
    %swap3A_161 = arith.constant 1 : i32
    %swap3A_162 = arith.index_cast %swap3A_161 : i32 to index
    %swap3A_163 = arith.constant 0 : index
    %swap3A_164 = tpu.vector_load %arg12[%swap3A_162, %swap3A_163] {strides = array<i32>} : memref<5x128xi32, #tpu.memory_space<vmem>>, vector<16xi32>,
    tpu.vector_store %arg12[%swap3A_162, %swap3A_163], %mul3A_160 {strides = array<i32>} : memref<5x128xi32, #tpu.memory_space<vmem>>, vector<16xi32>,
    %mul3A_165 = arith.constant 640 : i32
    %mul3A_166 = arith.muli %arg1, %mul3A_165 : i32
    %add3A_167 = arith.constant 128 : i32
    %add3A_168 = arith.addi %mul3A_166, %add3A_167 : i32
    %add3A_169 = arith.constant 16 : i32
    %add3A_170 = arith.addi %add3A_168, %add3A_169 : i32
    %add3A_171 = vector.broadcast %add3A_170 : i32 to vector<16xi32>
    %add3A_172 = arith.addi %add3A_171, %iota3A : vector<16xi32>
    %min3A_173 = arith.constant 9999 : i32
    %min3A_174 = vector.broadcast %min3A_173 : i32 to vector<16xi32>
    %min3A_175 = arith.minsi %add3A_172, %min3A_174 : vector<16xi32>
    %mul3A_176 = arith.constant 128 : i32
    %mul3A_177 = vector.broadcast %mul3A_176 : i32 to vector<16xi32>
    %mul3A_178 = arith.muli %min3A_175, %mul3A_177 : vector<16xi32>
    %swap3A_179 = arith.constant 1 : i32
    %swap3A_180 = arith.index_cast %swap3A_179 : i32 to index
    %swap3A_181 = arith.constant 16 : index
    %swap3A_182 = tpu.vector_load %arg12[%swap3A_180, %swap3A_181] {strides = array<i32>} : memref<5x128xi32, #tpu.memory_space<vmem>>, vector<16xi32>,
    tpu.vector_store %arg12[%swap3A_180, %swap3A_181], %mul3A_178 {strides = array<i32>} : memref<5x128xi32, #tpu.memory_space<vmem>>, vector<16xi32>,
    %mul3A_183 = arith.constant 640 : i32
    %mul3A_184 = arith.muli %arg1, %mul3A_183 : i32
    %add3A_185 = arith.constant 128 : i32
    %add3A_186 = arith.addi %mul3A_184, %add3A_185 : i32
    %add3A_187 = arith.constant 32 : i32
    %add3A_188 = arith.addi %add3A_186, %add3A_187 : i32
    %add3A_189 = vector.broadcast %add3A_188 : i32 to vector<16xi32>
    %add3A_190 = arith.addi %add3A_189, %iota3A : vector<16xi32>
    %min3A_191 = arith.constant 9999 : i32
    %min3A_192 = vector.broadcast %min3A_191 : i32 to vector<16xi32>
    %min3A_193 = arith.minsi %add3A_190, %min3A_192 : vector<16xi32>
    %mul3A_194 = arith.constant 128 : i32
    %mul3A_195 = vector.broadcast %mul3A_194 : i32 to vector<16xi32>
    %mul3A_196 = arith.muli %min3A_193, %mul3A_195 : vector<16xi32>
    %swap3A_197 = arith.constant 1 : i32
    %swap3A_198 = arith.index_cast %swap3A_197 : i32 to index
    %swap3A_199 = arith.constant 32 : index
    %swap3A_200 = tpu.vector_load %arg12[%swap3A_198, %swap3A_199] {strides = array<i32>} : memref<5x128xi32, #tpu.memory_space<vmem>>, vector<16xi32>,
    tpu.vector_store %arg12[%swap3A_198, %swap3A_199], %mul3A_196 {strides = array<i32>} : memref<5x128xi32, #tpu.memory_space<vmem>>, vector<16xi32>,
    %mul3A_201 = arith.constant 640 : i32
    %mul3A_202 = arith.muli %arg1, %mul3A_201 : i32
    %add3A_203 = arith.constant 128 : i32
    %add3A_204 = arith.addi %mul3A_202, %add3A_203 : i32
    %add3A_205 = arith.constant 48 : i32
    %add3A_206 = arith.addi %add3A_204, %add3A_205 : i32
    %add3A_207 = vector.broadcast %add3A_206 : i32 to vector<16xi32>
    %add3A_208 = arith.addi %add3A_207, %iota3A : vector<16xi32>
    %min3A_209 = arith.constant 9999 : i32
    %min3A_210 = vector.broadcast %min3A_209 : i32 to vector<16xi32>
    %min3A_211 = arith.minsi %add3A_208, %min3A_210 : vector<16xi32>
    %mul3A_212 = arith.constant 128 : i32
    %mul3A_213 = vector.broadcast %mul3A_212 : i32 to vector<16xi32>
    %mul3A_214 = arith.muli %min3A_211, %mul3A_213 : vector<16xi32>
    %swap3A_215 = arith.constant 1 : i32
    %swap3A_216 = arith.index_cast %swap3A_215 : i32 to index
    %swap3A_217 = arith.constant 48 : index
    %swap3A_218 = tpu.vector_load %arg12[%swap3A_216, %swap3A_217] {strides = array<i32>} : memref<5x128xi32, #tpu.memory_space<vmem>>, vector<16xi32>,
    tpu.vector_store %arg12[%swap3A_216, %swap3A_217], %mul3A_214 {strides = array<i32>} : memref<5x128xi32, #tpu.memory_space<vmem>>, vector<16xi32>,
    %mul3A_219 = arith.constant 640 : i32
    %mul3A_220 = arith.muli %arg1, %mul3A_219 : i32
    %add3A_221 = arith.constant 128 : i32
    %add3A_222 = arith.addi %mul3A_220, %add3A_221 : i32
    %add3A_223 = arith.constant 64 : i32
    %add3A_224 = arith.addi %add3A_222, %add3A_223 : i32
    %add3A_225 = vector.broadcast %add3A_224 : i32 to vector<16xi32>
    %add3A_226 = arith.addi %add3A_225, %iota3A : vector<16xi32>
    %min3A_227 = arith.constant 9999 : i32
    %min3A_228 = vector.broadcast %min3A_227 : i32 to vector<16xi32>
    %min3A_229 = arith.minsi %add3A_226, %min3A_228 : vector<16xi32>
    %mul3A_230 = arith.constant 128 : i32
    %mul3A_231 = vector.broadcast %mul3A_230 : i32 to vector<16xi32>
    %mul3A_232 = arith.muli %min3A_229, %mul3A_231 : vector<16xi32>
    %swap3A_233 = arith.constant 1 : i32
    %swap3A_234 = arith.index_cast %swap3A_233 : i32 to index
    %swap3A_235 = arith.constant 64 : index
    %swap3A_236 = tpu.vector_load %arg12[%swap3A_234, %swap3A_235] {strides = array<i32>} : memref<5x128xi32, #tpu.memory_space<vmem>>, vector<16xi32>,
    tpu.vector_store %arg12[%swap3A_234, %swap3A_235], %mul3A_232 {strides = array<i32>} : memref<5x128xi32, #tpu.memory_space<vmem>>, vector<16xi32>,
    %mul3A_237 = arith.constant 640 : i32
    %mul3A_238 = arith.muli %arg1, %mul3A_237 : i32
    %add3A_239 = arith.constant 128 : i32
    %add3A_240 = arith.addi %mul3A_238, %add3A_239 : i32
    %add3A_241 = arith.constant 80 : i32
    %add3A_242 = arith.addi %add3A_240, %add3A_241 : i32
    %add3A_243 = vector.broadcast %add3A_242 : i32 to vector<16xi32>
    %add3A_244 = arith.addi %add3A_243, %iota3A : vector<16xi32>
    %min3A_245 = arith.constant 9999 : i32
    %min3A_246 = vector.broadcast %min3A_245 : i32 to vector<16xi32>
    %min3A_247 = arith.minsi %add3A_244, %min3A_246 : vector<16xi32>
    %mul3A_248 = arith.constant 128 : i32
    %mul3A_249 = vector.broadcast %mul3A_248 : i32 to vector<16xi32>
    %mul3A_250 = arith.muli %min3A_247, %mul3A_249 : vector<16xi32>
    %swap3A_251 = arith.constant 1 : i32
    %swap3A_252 = arith.index_cast %swap3A_251 : i32 to index
    %swap3A_253 = arith.constant 80 : index
    %swap3A_254 = tpu.vector_load %arg12[%swap3A_252, %swap3A_253] {strides = array<i32>} : memref<5x128xi32, #tpu.memory_space<vmem>>, vector<16xi32>,
    tpu.vector_store %arg12[%swap3A_252, %swap3A_253], %mul3A_250 {strides = array<i32>} : memref<5x128xi32, #tpu.memory_space<vmem>>, vector<16xi32>,
    %mul3A_255 = arith.constant 640 : i32
    %mul3A_256 = arith.muli %arg1, %mul3A_255 : i32
    %add3A_257 = arith.constant 128 : i32
    %add3A_258 = arith.addi %mul3A_256, %add3A_257 : i32
    %add3A_259 = arith.constant 96 : i32
    %add3A_260 = arith.addi %add3A_258, %add3A_259 : i32
    %add3A_261 = vector.broadcast %add3A_260 : i32 to vector<16xi32>
    %add3A_262 = arith.addi %add3A_261, %iota3A : vector<16xi32>
    %min3A_263 = arith.constant 9999 : i32
    %min3A_264 = vector.broadcast %min3A_263 : i32 to vector<16xi32>
    %min3A_265 = arith.minsi %add3A_262, %min3A_264 : vector<16xi32>
    %mul3A_266 = arith.constant 128 : i32
    %mul3A_267 = vector.broadcast %mul3A_266 : i32 to vector<16xi32>
    %mul3A_268 = arith.muli %min3A_265, %mul3A_267 : vector<16xi32>
    %swap3A_269 = arith.constant 1 : i32
    %swap3A_270 = arith.index_cast %swap3A_269 : i32 to index
    %swap3A_271 = arith.constant 96 : index
    %swap3A_272 = tpu.vector_load %arg12[%swap3A_270, %swap3A_271] {strides = array<i32>} : memref<5x128xi32, #tpu.memory_space<vmem>>, vector<16xi32>,
    tpu.vector_store %arg12[%swap3A_270, %swap3A_271], %mul3A_268 {strides = array<i32>} : memref<5x128xi32, #tpu.memory_space<vmem>>, vector<16xi32>,
    %mul3A_273 = arith.constant 640 : i32
    %mul3A_274 = arith.muli %arg1, %mul3A_273 : i32
    %add3A_275 = arith.constant 128 : i32
    %add3A_276 = arith.addi %mul3A_274, %add3A_275 : i32
    %add3A_277 = arith.constant 112 : i32
    %add3A_278 = arith.addi %add3A_276, %add3A_277 : i32
    %add3A_279 = vector.broadcast %add3A_278 : i32 to vector<16xi32>
    %add3A_280 = arith.addi %add3A_279, %iota3A : vector<16xi32>
    %min3A_281 = arith.constant 9999 : i32
    %min3A_282 = vector.broadcast %min3A_281 : i32 to vector<16xi32>
    %min3A_283 = arith.minsi %add3A_280, %min3A_282 : vector<16xi32>
    %mul3A_284 = arith.constant 128 : i32
    %mul3A_285 = vector.broadcast %mul3A_284 : i32 to vector<16xi32>
    %mul3A_286 = arith.muli %min3A_283, %mul3A_285 : vector<16xi32>
    %swap3A_287 = arith.constant 1 : i32
    %swap3A_288 = arith.index_cast %swap3A_287 : i32 to index
    %swap3A_289 = arith.constant 112 : index
    %swap3A_290 = tpu.vector_load %arg12[%swap3A_288, %swap3A_289] {strides = array<i32>} : memref<5x128xi32, #tpu.memory_space<vmem>>, vector<16xi32>,
    tpu.vector_store %arg12[%swap3A_288, %swap3A_289], %mul3A_286 {strides = array<i32>} : memref<5x128xi32, #tpu.memory_space<vmem>>, vector<16xi32>,
    %mul3A_291 = arith.constant 640 : i32
    %mul3A_292 = arith.muli %arg1, %mul3A_291 : i32
    %add3A_293 = arith.constant 256 : i32
    %add3A_294 = arith.addi %mul3A_292, %add3A_293 : i32
    %add3A_295 = arith.constant 0 : i32
    %add3A_296 = arith.addi %add3A_294, %add3A_295 : i32
    %add3A_297 = vector.broadcast %add3A_296 : i32 to vector<16xi32>
    %add3A_298 = arith.addi %add3A_297, %iota3A : vector<16xi32>
    %min3A_299 = arith.constant 9999 : i32
    %min3A_300 = vector.broadcast %min3A_299 : i32 to vector<16xi32>
    %min3A_301 = arith.minsi %add3A_298, %min3A_300 : vector<16xi32>
    %mul3A_302 = arith.constant 128 : i32
    %mul3A_303 = vector.broadcast %mul3A_302 : i32 to vector<16xi32>
    %mul3A_304 = arith.muli %min3A_301, %mul3A_303 : vector<16xi32>
    %swap3A_305 = arith.constant 2 : i32
    %swap3A_306 = arith.index_cast %swap3A_305 : i32 to index
    %swap3A_307 = arith.constant 0 : index
    %swap3A_308 = tpu.vector_load %arg12[%swap3A_306, %swap3A_307] {strides = array<i32>} : memref<5x128xi32, #tpu.memory_space<vmem>>, vector<16xi32>,
    tpu.vector_store %arg12[%swap3A_306, %swap3A_307], %mul3A_304 {strides = array<i32>} : memref<5x128xi32, #tpu.memory_space<vmem>>, vector<16xi32>,
    %mul3A_309 = arith.constant 640 : i32
    %mul3A_310 = arith.muli %arg1, %mul3A_309 : i32
    %add3A_311 = arith.constant 256 : i32
    %add3A_312 = arith.addi %mul3A_310, %add3A_311 : i32
    %add3A_313 = arith.constant 16 : i32
    %add3A_314 = arith.addi %add3A_312, %add3A_313 : i32
    %add3A_315 = vector.broadcast %add3A_314 : i32 to vector<16xi32>
    %add3A_316 = arith.addi %add3A_315, %iota3A : vector<16xi32>
    %min3A_317 = arith.constant 9999 : i32
    %min3A_318 = vector.broadcast %min3A_317 : i32 to vector<16xi32>
    %min3A_319 = arith.minsi %add3A_316, %min3A_318 : vector<16xi32>
    %mul3A_320 = arith.constant 128 : i32
    %mul3A_321 = vector.broadcast %mul3A_320 : i32 to vector<16xi32>
    %mul3A_322 = arith.muli %min3A_319, %mul3A_321 : vector<16xi32>
    %swap3A_323 = arith.constant 2 : i32
    %swap3A_324 = arith.index_cast %swap3A_323 : i32 to index
    %swap3A_325 = arith.constant 16 : index
    %swap3A_326 = tpu.vector_load %arg12[%swap3A_324, %swap3A_325] {strides = array<i32>} : memref<5x128xi32, #tpu.memory_space<vmem>>, vector<16xi32>,
    tpu.vector_store %arg12[%swap3A_324, %swap3A_325], %mul3A_322 {strides = array<i32>} : memref<5x128xi32, #tpu.memory_space<vmem>>, vector<16xi32>,
    %mul3A_327 = arith.constant 640 : i32
    %mul3A_328 = arith.muli %arg1, %mul3A_327 : i32
    %add3A_329 = arith.constant 256 : i32
    %add3A_330 = arith.addi %mul3A_328, %add3A_329 : i32
    %add3A_331 = arith.constant 32 : i32
    %add3A_332 = arith.addi %add3A_330, %add3A_331 : i32
    %add3A_333 = vector.broadcast %add3A_332 : i32 to vector<16xi32>
    %add3A_334 = arith.addi %add3A_333, %iota3A : vector<16xi32>
    %min3A_335 = arith.constant 9999 : i32
    %min3A_336 = vector.broadcast %min3A_335 : i32 to vector<16xi32>
    %min3A_337 = arith.minsi %add3A_334, %min3A_336 : vector<16xi32>
    %mul3A_338 = arith.constant 128 : i32
    %mul3A_339 = vector.broadcast %mul3A_338 : i32 to vector<16xi32>
    %mul3A_340 = arith.muli %min3A_337, %mul3A_339 : vector<16xi32>
    %swap3A_341 = arith.constant 2 : i32
    %swap3A_342 = arith.index_cast %swap3A_341 : i32 to index
    %swap3A_343 = arith.constant 32 : index
    %swap3A_344 = tpu.vector_load %arg12[%swap3A_342, %swap3A_343] {strides = array<i32>} : memref<5x128xi32, #tpu.memory_space<vmem>>, vector<16xi32>,
    tpu.vector_store %arg12[%swap3A_342, %swap3A_343], %mul3A_340 {strides = array<i32>} : memref<5x128xi32, #tpu.memory_space<vmem>>, vector<16xi32>,
    %mul3A_345 = arith.constant 640 : i32
    %mul3A_346 = arith.muli %arg1, %mul3A_345 : i32
    %add3A_347 = arith.constant 256 : i32
    %add3A_348 = arith.addi %mul3A_346, %add3A_347 : i32
    %add3A_349 = arith.constant 48 : i32
    %add3A_350 = arith.addi %add3A_348, %add3A_349 : i32
    %add3A_351 = vector.broadcast %add3A_350 : i32 to vector<16xi32>
    %add3A_352 = arith.addi %add3A_351, %iota3A : vector<16xi32>
    %min3A_353 = arith.constant 9999 : i32
    %min3A_354 = vector.broadcast %min3A_353 : i32 to vector<16xi32>
    %min3A_355 = arith.minsi %add3A_352, %min3A_354 : vector<16xi32>
    %mul3A_356 = arith.constant 128 : i32
    %mul3A_357 = vector.broadcast %mul3A_356 : i32 to vector<16xi32>
    %mul3A_358 = arith.muli %min3A_355, %mul3A_357 : vector<16xi32>
    %swap3A_359 = arith.constant 2 : i32
    %swap3A_360 = arith.index_cast %swap3A_359 : i32 to index
    %swap3A_361 = arith.constant 48 : index
    %swap3A_362 = tpu.vector_load %arg12[%swap3A_360, %swap3A_361] {strides = array<i32>} : memref<5x128xi32, #tpu.memory_space<vmem>>, vector<16xi32>,
    tpu.vector_store %arg12[%swap3A_360, %swap3A_361], %mul3A_358 {strides = array<i32>} : memref<5x128xi32, #tpu.memory_space<vmem>>, vector<16xi32>,
    %mul3A_363 = arith.constant 640 : i32
    %mul3A_364 = arith.muli %arg1, %mul3A_363 : i32
    %add3A_365 = arith.constant 256 : i32
    %add3A_366 = arith.addi %mul3A_364, %add3A_365 : i32
    %add3A_367 = arith.constant 64 : i32
    %add3A_368 = arith.addi %add3A_366, %add3A_367 : i32
    %add3A_369 = vector.broadcast %add3A_368 : i32 to vector<16xi32>
    %add3A_370 = arith.addi %add3A_369, %iota3A : vector<16xi32>
    %min3A_371 = arith.constant 9999 : i32
    %min3A_372 = vector.broadcast %min3A_371 : i32 to vector<16xi32>
    %min3A_373 = arith.minsi %add3A_370, %min3A_372 : vector<16xi32>
    %mul3A_374 = arith.constant 128 : i32
    %mul3A_375 = vector.broadcast %mul3A_374 : i32 to vector<16xi32>
    %mul3A_376 = arith.muli %min3A_373, %mul3A_375 : vector<16xi32>
    %swap3A_377 = arith.constant 2 : i32
    %swap3A_378 = arith.index_cast %swap3A_377 : i32 to index
    %swap3A_379 = arith.constant 64 : index
    %swap3A_380 = tpu.vector_load %arg12[%swap3A_378, %swap3A_379] {strides = array<i32>} : memref<5x128xi32, #tpu.memory_space<vmem>>, vector<16xi32>,
    tpu.vector_store %arg12[%swap3A_378, %swap3A_379], %mul3A_376 {strides = array<i32>} : memref<5x128xi32, #tpu.memory_space<vmem>>, vector<16xi32>,
    %mul3A_381 = arith.constant 640 : i32
    %mul3A_382 = arith.muli %arg1, %mul3A_381 : i32
    %add3A_383 = arith.constant 256 : i32
    %add3A_384 = arith.addi %mul3A_382, %add3A_383 : i32
    %add3A_385 = arith.constant 80 : i32
    %add3A_386 = arith.addi %add3A_384, %add3A_385 : i32
    %add3A_387 = vector.broadcast %add3A_386 : i32 to vector<16xi32>
    %add3A_388 = arith.addi %add3A_387, %iota3A : vector<16xi32>
    %min3A_389 = arith.constant 9999 : i32
    %min3A_390 = vector.broadcast %min3A_389 : i32 to vector<16xi32>
    %min3A_391 = arith.minsi %add3A_388, %min3A_390 : vector<16xi32>
    %mul3A_392 = arith.constant 128 : i32
    %mul3A_393 = vector.broadcast %mul3A_392 : i32 to vector<16xi32>
    %mul3A_394 = arith.muli %min3A_391, %mul3A_393 : vector<16xi32>
    %swap3A_395 = arith.constant 2 : i32
    %swap3A_396 = arith.index_cast %swap3A_395 : i32 to index
    %swap3A_397 = arith.constant 80 : index
    %swap3A_398 = tpu.vector_load %arg12[%swap3A_396, %swap3A_397] {strides = array<i32>} : memref<5x128xi32, #tpu.memory_space<vmem>>, vector<16xi32>,
    tpu.vector_store %arg12[%swap3A_396, %swap3A_397], %mul3A_394 {strides = array<i32>} : memref<5x128xi32, #tpu.memory_space<vmem>>, vector<16xi32>,
    %mul3A_399 = arith.constant 640 : i32
    %mul3A_400 = arith.muli %arg1, %mul3A_399 : i32
    %add3A_401 = arith.constant 256 : i32
    %add3A_402 = arith.addi %mul3A_400, %add3A_401 : i32
    %add3A_403 = arith.constant 96 : i32
    %add3A_404 = arith.addi %add3A_402, %add3A_403 : i32
    %add3A_405 = vector.broadcast %add3A_404 : i32 to vector<16xi32>
    %add3A_406 = arith.addi %add3A_405, %iota3A : vector<16xi32>
    %min3A_407 = arith.constant 9999 : i32
    %min3A_408 = vector.broadcast %min3A_407 : i32 to vector<16xi32>
    %min3A_409 = arith.minsi %add3A_406, %min3A_408 : vector<16xi32>
    %mul3A_410 = arith.constant 128 : i32
    %mul3A_411 = vector.broadcast %mul3A_410 : i32 to vector<16xi32>
    %mul3A_412 = arith.muli %min3A_409, %mul3A_411 : vector<16xi32>
    %swap3A_413 = arith.constant 2 : i32
    %swap3A_414 = arith.index_cast %swap3A_413 : i32 to index
    %swap3A_415 = arith.constant 96 : index
    %swap3A_416 = tpu.vector_load %arg12[%swap3A_414, %swap3A_415] {strides = array<i32>} : memref<5x128xi32, #tpu.memory_space<vmem>>, vector<16xi32>,
    tpu.vector_store %arg12[%swap3A_414, %swap3A_415], %mul3A_412 {strides = array<i32>} : memref<5x128xi32, #tpu.memory_space<vmem>>, vector<16xi32>,
    %mul3A_417 = arith.constant 640 : i32
    %mul3A_418 = arith.muli %arg1, %mul3A_417 : i32
    %add3A_419 = arith.constant 256 : i32
    %add3A_420 = arith.addi %mul3A_418, %add3A_419 : i32
    %add3A_421 = arith.constant 112 : i32
    %add3A_422 = arith.addi %add3A_420, %add3A_421 : i32
    %add3A_423 = vector.broadcast %add3A_422 : i32 to vector<16xi32>
    %add3A_424 = arith.addi %add3A_423, %iota3A : vector<16xi32>
    %min3A_425 = arith.constant 9999 : i32
    %min3A_426 = vector.broadcast %min3A_425 : i32 to vector<16xi32>
    %min3A_427 = arith.minsi %add3A_424, %min3A_426 : vector<16xi32>
    %mul3A_428 = arith.constant 128 : i32
    %mul3A_429 = vector.broadcast %mul3A_428 : i32 to vector<16xi32>
    %mul3A_430 = arith.muli %min3A_427, %mul3A_429 : vector<16xi32>
    %swap3A_431 = arith.constant 2 : i32
    %swap3A_432 = arith.index_cast %swap3A_431 : i32 to index
    %swap3A_433 = arith.constant 112 : index
    %swap3A_434 = tpu.vector_load %arg12[%swap3A_432, %swap3A_433] {strides = array<i32>} : memref<5x128xi32, #tpu.memory_space<vmem>>, vector<16xi32>,
    tpu.vector_store %arg12[%swap3A_432, %swap3A_433], %mul3A_430 {strides = array<i32>} : memref<5x128xi32, #tpu.memory_space<vmem>>, vector<16xi32>,
    %mul3A_435 = arith.constant 640 : i32
    %mul3A_436 = arith.muli %arg1, %mul3A_435 : i32
    %add3A_437 = arith.constant 384 : i32
    %add3A_438 = arith.addi %mul3A_436, %add3A_437 : i32
    %add3A_439 = arith.constant 0 : i32
    %add3A_440 = arith.addi %add3A_438, %add3A_439 : i32
    %add3A_441 = vector.broadcast %add3A_440 : i32 to vector<16xi32>
    %add3A_442 = arith.addi %add3A_441, %iota3A : vector<16xi32>
    %min3A_443 = arith.constant 9999 : i32
    %min3A_444 = vector.broadcast %min3A_443 : i32 to vector<16xi32>
    %min3A_445 = arith.minsi %add3A_442, %min3A_444 : vector<16xi32>
    %mul3A_446 = arith.constant 128 : i32
    %mul3A_447 = vector.broadcast %mul3A_446 : i32 to vector<16xi32>
    %mul3A_448 = arith.muli %min3A_445, %mul3A_447 : vector<16xi32>
    %swap3A_449 = arith.constant 3 : i32
    %swap3A_450 = arith.index_cast %swap3A_449 : i32 to index
    %swap3A_451 = arith.constant 0 : index
    %swap3A_452 = tpu.vector_load %arg12[%swap3A_450, %swap3A_451] {strides = array<i32>} : memref<5x128xi32, #tpu.memory_space<vmem>>, vector<16xi32>,
    tpu.vector_store %arg12[%swap3A_450, %swap3A_451], %mul3A_448 {strides = array<i32>} : memref<5x128xi32, #tpu.memory_space<vmem>>, vector<16xi32>,
    %mul3A_453 = arith.constant 640 : i32
    %mul3A_454 = arith.muli %arg1, %mul3A_453 : i32
    %add3A_455 = arith.constant 384 : i32
    %add3A_456 = arith.addi %mul3A_454, %add3A_455 : i32
    %add3A_457 = arith.constant 16 : i32
    %add3A_458 = arith.addi %add3A_456, %add3A_457 : i32
    %add3A_459 = vector.broadcast %add3A_458 : i32 to vector<16xi32>
    %add3A_460 = arith.addi %add3A_459, %iota3A : vector<16xi32>
    %min3A_461 = arith.constant 9999 : i32
    %min3A_462 = vector.broadcast %min3A_461 : i32 to vector<16xi32>
    %min3A_463 = arith.minsi %add3A_460, %min3A_462 : vector<16xi32>
    %mul3A_464 = arith.constant 128 : i32
    %mul3A_465 = vector.broadcast %mul3A_464 : i32 to vector<16xi32>
    %mul3A_466 = arith.muli %min3A_463, %mul3A_465 : vector<16xi32>
    %swap3A_467 = arith.constant 3 : i32
    %swap3A_468 = arith.index_cast %swap3A_467 : i32 to index
    %swap3A_469 = arith.constant 16 : index
    %swap3A_470 = tpu.vector_load %arg12[%swap3A_468, %swap3A_469] {strides = array<i32>} : memref<5x128xi32, #tpu.memory_space<vmem>>, vector<16xi32>,
    tpu.vector_store %arg12[%swap3A_468, %swap3A_469], %mul3A_466 {strides = array<i32>} : memref<5x128xi32, #tpu.memory_space<vmem>>, vector<16xi32>,
    %mul3A_471 = arith.constant 640 : i32
    %mul3A_472 = arith.muli %arg1, %mul3A_471 : i32
    %add3A_473 = arith.constant 384 : i32
    %add3A_474 = arith.addi %mul3A_472, %add3A_473 : i32
    %add3A_475 = arith.constant 32 : i32
    %add3A_476 = arith.addi %add3A_474, %add3A_475 : i32
    %add3A_477 = vector.broadcast %add3A_476 : i32 to vector<16xi32>
    %add3A_478 = arith.addi %add3A_477, %iota3A : vector<16xi32>
    %min3A_479 = arith.constant 9999 : i32
    %min3A_480 = vector.broadcast %min3A_479 : i32 to vector<16xi32>
    %min3A_481 = arith.minsi %add3A_478, %min3A_480 : vector<16xi32>
    %mul3A_482 = arith.constant 128 : i32
    %mul3A_483 = vector.broadcast %mul3A_482 : i32 to vector<16xi32>
    %mul3A_484 = arith.muli %min3A_481, %mul3A_483 : vector<16xi32>
    %swap3A_485 = arith.constant 3 : i32
    %swap3A_486 = arith.index_cast %swap3A_485 : i32 to index
    %swap3A_487 = arith.constant 32 : index
    %swap3A_488 = tpu.vector_load %arg12[%swap3A_486, %swap3A_487] {strides = array<i32>} : memref<5x128xi32, #tpu.memory_space<vmem>>, vector<16xi32>,
    tpu.vector_store %arg12[%swap3A_486, %swap3A_487], %mul3A_484 {strides = array<i32>} : memref<5x128xi32, #tpu.memory_space<vmem>>, vector<16xi32>,
    %mul3A_489 = arith.constant 640 : i32
    %mul3A_490 = arith.muli %arg1, %mul3A_489 : i32
    %add3A_491 = arith.constant 384 : i32
    %add3A_492 = arith.addi %mul3A_490, %add3A_491 : i32
    %add3A_493 = arith.constant 48 : i32
    %add3A_494 = arith.addi %add3A_492, %add3A_493 : i32
    %add3A_495 = vector.broadcast %add3A_494 : i32 to vector<16xi32>
    %add3A_496 = arith.addi %add3A_495, %iota3A : vector<16xi32>
    %min3A_497 = arith.constant 9999 : i32
    %min3A_498 = vector.broadcast %min3A_497 : i32 to vector<16xi32>
    %min3A_499 = arith.minsi %add3A_496, %min3A_498 : vector<16xi32>
    %mul3A_500 = arith.constant 128 : i32
    %mul3A_501 = vector.broadcast %mul3A_500 : i32 to vector<16xi32>
    %mul3A_502 = arith.muli %min3A_499, %mul3A_501 : vector<16xi32>
    %swap3A_503 = arith.constant 3 : i32
    %swap3A_504 = arith.index_cast %swap3A_503 : i32 to index
    %swap3A_505 = arith.constant 48 : index
    %swap3A_506 = tpu.vector_load %arg12[%swap3A_504, %swap3A_505] {strides = array<i32>} : memref<5x128xi32, #tpu.memory_space<vmem>>, vector<16xi32>,
    tpu.vector_store %arg12[%swap3A_504, %swap3A_505], %mul3A_502 {strides = array<i32>} : memref<5x128xi32, #tpu.memory_space<vmem>>, vector<16xi32>,
    %mul3A_507 = arith.constant 640 : i32
    %mul3A_508 = arith.muli %arg1, %mul3A_507 : i32
    %add3A_509 = arith.constant 384 : i32
    %add3A_510 = arith.addi %mul3A_508, %add3A_509 : i32
    %add3A_511 = arith.constant 64 : i32
    %add3A_512 = arith.addi %add3A_510, %add3A_511 : i32
    %add3A_513 = vector.broadcast %add3A_512 : i32 to vector<16xi32>
    %add3A_514 = arith.addi %add3A_513, %iota3A : vector<16xi32>
    %min3A_515 = arith.constant 9999 : i32
    %min3A_516 = vector.broadcast %min3A_515 : i32 to vector<16xi32>
    %min3A_517 = arith.minsi %add3A_514, %min3A_516 : vector<16xi32>
    %mul3A_518 = arith.constant 128 : i32
    %mul3A_519 = vector.broadcast %mul3A_518 : i32 to vector<16xi32>
    %mul3A_520 = arith.muli %min3A_517, %mul3A_519 : vector<16xi32>
    %swap3A_521 = arith.constant 3 : i32
    %swap3A_522 = arith.index_cast %swap3A_521 : i32 to index
    %swap3A_523 = arith.constant 64 : index
    %swap3A_524 = tpu.vector_load %arg12[%swap3A_522, %swap3A_523] {strides = array<i32>} : memref<5x128xi32, #tpu.memory_space<vmem>>, vector<16xi32>,
    tpu.vector_store %arg12[%swap3A_522, %swap3A_523], %mul3A_520 {strides = array<i32>} : memref<5x128xi32, #tpu.memory_space<vmem>>, vector<16xi32>,
    %mul3A_525 = arith.constant 640 : i32
    %mul3A_526 = arith.muli %arg1, %mul3A_525 : i32
    %add3A_527 = arith.constant 384 : i32
    %add3A_528 = arith.addi %mul3A_526, %add3A_527 : i32
    %add3A_529 = arith.constant 80 : i32
    %add3A_530 = arith.addi %add3A_528, %add3A_529 : i32
    %add3A_531 = vector.broadcast %add3A_530 : i32 to vector<16xi32>
    %add3A_532 = arith.addi %add3A_531, %iota3A : vector<16xi32>
    %min3A_533 = arith.constant 9999 : i32
    %min3A_534 = vector.broadcast %min3A_533 : i32 to vector<16xi32>
    %min3A_535 = arith.minsi %add3A_532, %min3A_534 : vector<16xi32>
    %mul3A_536 = arith.constant 128 : i32
    %mul3A_537 = vector.broadcast %mul3A_536 : i32 to vector<16xi32>
    %mul3A_538 = arith.muli %min3A_535, %mul3A_537 : vector<16xi32>
    %swap3A_539 = arith.constant 3 : i32
    %swap3A_540 = arith.index_cast %swap3A_539 : i32 to index
    %swap3A_541 = arith.constant 80 : index
    %swap3A_542 = tpu.vector_load %arg12[%swap3A_540, %swap3A_541] {strides = array<i32>} : memref<5x128xi32, #tpu.memory_space<vmem>>, vector<16xi32>,
    tpu.vector_store %arg12[%swap3A_540, %swap3A_541], %mul3A_538 {strides = array<i32>} : memref<5x128xi32, #tpu.memory_space<vmem>>, vector<16xi32>,
    %mul3A_543 = arith.constant 640 : i32
    %mul3A_544 = arith.muli %arg1, %mul3A_543 : i32
    %add3A_545 = arith.constant 384 : i32
    %add3A_546 = arith.addi %mul3A_544, %add3A_545 : i32
    %add3A_547 = arith.constant 96 : i32
    %add3A_548 = arith.addi %add3A_546, %add3A_547 : i32
    %add3A_549 = vector.broadcast %add3A_548 : i32 to vector<16xi32>
    %add3A_550 = arith.addi %add3A_549, %iota3A : vector<16xi32>
    %min3A_551 = arith.constant 9999 : i32
    %min3A_552 = vector.broadcast %min3A_551 : i32 to vector<16xi32>
    %min3A_553 = arith.minsi %add3A_550, %min3A_552 : vector<16xi32>
    %mul3A_554 = arith.constant 128 : i32
    %mul3A_555 = vector.broadcast %mul3A_554 : i32 to vector<16xi32>
    %mul3A_556 = arith.muli %min3A_553, %mul3A_555 : vector<16xi32>
    %swap3A_557 = arith.constant 3 : i32
    %swap3A_558 = arith.index_cast %swap3A_557 : i32 to index
    %swap3A_559 = arith.constant 96 : index
    %swap3A_560 = tpu.vector_load %arg12[%swap3A_558, %swap3A_559] {strides = array<i32>} : memref<5x128xi32, #tpu.memory_space<vmem>>, vector<16xi32>,
    tpu.vector_store %arg12[%swap3A_558, %swap3A_559], %mul3A_556 {strides = array<i32>} : memref<5x128xi32, #tpu.memory_space<vmem>>, vector<16xi32>,
    %mul3A_561 = arith.constant 640 : i32
    %mul3A_562 = arith.muli %arg1, %mul3A_561 : i32
    %add3A_563 = arith.constant 384 : i32
    %add3A_564 = arith.addi %mul3A_562, %add3A_563 : i32
    %add3A_565 = arith.constant 112 : i32
    %add3A_566 = arith.addi %add3A_564, %add3A_565 : i32
    %add3A_567 = vector.broadcast %add3A_566 : i32 to vector<16xi32>
    %add3A_568 = arith.addi %add3A_567, %iota3A : vector<16xi32>
    %min3A_569 = arith.constant 9999 : i32
    %min3A_570 = vector.broadcast %min3A_569 : i32 to vector<16xi32>
    %min3A_571 = arith.minsi %add3A_568, %min3A_570 : vector<16xi32>
    %mul3A_572 = arith.constant 128 : i32
    %mul3A_573 = vector.broadcast %mul3A_572 : i32 to vector<16xi32>
    %mul3A_574 = arith.muli %min3A_571, %mul3A_573 : vector<16xi32>
    %swap3A_575 = arith.constant 3 : i32
    %swap3A_576 = arith.index_cast %swap3A_575 : i32 to index
    %swap3A_577 = arith.constant 112 : index
    %swap3A_578 = tpu.vector_load %arg12[%swap3A_576, %swap3A_577] {strides = array<i32>} : memref<5x128xi32, #tpu.memory_space<vmem>>, vector<16xi32>,
    tpu.vector_store %arg12[%swap3A_576, %swap3A_577], %mul3A_574 {strides = array<i32>} : memref<5x128xi32, #tpu.memory_space<vmem>>, vector<16xi32>,
    %mul3A_579 = arith.constant 640 : i32
    %mul3A_580 = arith.muli %arg1, %mul3A_579 : i32
    %add3A_581 = arith.constant 512 : i32
    %add3A_582 = arith.addi %mul3A_580, %add3A_581 : i32
    %add3A_583 = arith.constant 0 : i32
    %add3A_584 = arith.addi %add3A_582, %add3A_583 : i32
    %add3A_585 = vector.broadcast %add3A_584 : i32 to vector<16xi32>
    %add3A_586 = arith.addi %add3A_585, %iota3A : vector<16xi32>
    %min3A_587 = arith.constant 9999 : i32
    %min3A_588 = vector.broadcast %min3A_587 : i32 to vector<16xi32>
    %min3A_589 = arith.minsi %add3A_586, %min3A_588 : vector<16xi32>
    %mul3A_590 = arith.constant 128 : i32
    %mul3A_591 = vector.broadcast %mul3A_590 : i32 to vector<16xi32>
    %mul3A_592 = arith.muli %min3A_589, %mul3A_591 : vector<16xi32>
    %swap3A_593 = arith.constant 4 : i32
    %swap3A_594 = arith.index_cast %swap3A_593 : i32 to index
    %swap3A_595 = arith.constant 0 : index
    %swap3A_596 = tpu.vector_load %arg12[%swap3A_594, %swap3A_595] {strides = array<i32>} : memref<5x128xi32, #tpu.memory_space<vmem>>, vector<16xi32>,
    tpu.vector_store %arg12[%swap3A_594, %swap3A_595], %mul3A_592 {strides = array<i32>} : memref<5x128xi32, #tpu.memory_space<vmem>>, vector<16xi32>,
    %mul3A_597 = arith.constant 640 : i32
    %mul3A_598 = arith.muli %arg1, %mul3A_597 : i32
    %add3A_599 = arith.constant 512 : i32
    %add3A_600 = arith.addi %mul3A_598, %add3A_599 : i32
    %add3A_601 = arith.constant 16 : i32
    %add3A_602 = arith.addi %add3A_600, %add3A_601 : i32
    %add3A_603 = vector.broadcast %add3A_602 : i32 to vector<16xi32>
    %add3A_604 = arith.addi %add3A_603, %iota3A : vector<16xi32>
    %min3A_605 = arith.constant 9999 : i32
    %min3A_606 = vector.broadcast %min3A_605 : i32 to vector<16xi32>
    %min3A_607 = arith.minsi %add3A_604, %min3A_606 : vector<16xi32>
    %mul3A_608 = arith.constant 128 : i32
    %mul3A_609 = vector.broadcast %mul3A_608 : i32 to vector<16xi32>
    %mul3A_610 = arith.muli %min3A_607, %mul3A_609 : vector<16xi32>
    %swap3A_611 = arith.constant 4 : i32
    %swap3A_612 = arith.index_cast %swap3A_611 : i32 to index
    %swap3A_613 = arith.constant 16 : index
    %swap3A_614 = tpu.vector_load %arg12[%swap3A_612, %swap3A_613] {strides = array<i32>} : memref<5x128xi32, #tpu.memory_space<vmem>>, vector<16xi32>,
    tpu.vector_store %arg12[%swap3A_612, %swap3A_613], %mul3A_610 {strides = array<i32>} : memref<5x128xi32, #tpu.memory_space<vmem>>, vector<16xi32>,
    %mul3A_615 = arith.constant 640 : i32
    %mul3A_616 = arith.muli %arg1, %mul3A_615 : i32
    %add3A_617 = arith.constant 512 : i32
    %add3A_618 = arith.addi %mul3A_616, %add3A_617 : i32
    %add3A_619 = arith.constant 32 : i32
    %add3A_620 = arith.addi %add3A_618, %add3A_619 : i32
    %add3A_621 = vector.broadcast %add3A_620 : i32 to vector<16xi32>
    %add3A_622 = arith.addi %add3A_621, %iota3A : vector<16xi32>
    %min3A_623 = arith.constant 9999 : i32
    %min3A_624 = vector.broadcast %min3A_623 : i32 to vector<16xi32>
    %min3A_625 = arith.minsi %add3A_622, %min3A_624 : vector<16xi32>
    %mul3A_626 = arith.constant 128 : i32
    %mul3A_627 = vector.broadcast %mul3A_626 : i32 to vector<16xi32>
    %mul3A_628 = arith.muli %min3A_625, %mul3A_627 : vector<16xi32>
    %swap3A_629 = arith.constant 4 : i32
    %swap3A_630 = arith.index_cast %swap3A_629 : i32 to index
    %swap3A_631 = arith.constant 32 : index
    %swap3A_632 = tpu.vector_load %arg12[%swap3A_630, %swap3A_631] {strides = array<i32>} : memref<5x128xi32, #tpu.memory_space<vmem>>, vector<16xi32>,
    tpu.vector_store %arg12[%swap3A_630, %swap3A_631], %mul3A_628 {strides = array<i32>} : memref<5x128xi32, #tpu.memory_space<vmem>>, vector<16xi32>,
    %mul3A_633 = arith.constant 640 : i32
    %mul3A_634 = arith.muli %arg1, %mul3A_633 : i32
    %add3A_635 = arith.constant 512 : i32
    %add3A_636 = arith.addi %mul3A_634, %add3A_635 : i32
    %add3A_637 = arith.constant 48 : i32
    %add3A_638 = arith.addi %add3A_636, %add3A_637 : i32
    %add3A_639 = vector.broadcast %add3A_638 : i32 to vector<16xi32>
    %add3A_640 = arith.addi %add3A_639, %iota3A : vector<16xi32>
    %min3A_641 = arith.constant 9999 : i32
    %min3A_642 = vector.broadcast %min3A_641 : i32 to vector<16xi32>
    %min3A_643 = arith.minsi %add3A_640, %min3A_642 : vector<16xi32>
    %mul3A_644 = arith.constant 128 : i32
    %mul3A_645 = vector.broadcast %mul3A_644 : i32 to vector<16xi32>
    %mul3A_646 = arith.muli %min3A_643, %mul3A_645 : vector<16xi32>
    %swap3A_647 = arith.constant 4 : i32
    %swap3A_648 = arith.index_cast %swap3A_647 : i32 to index
    %swap3A_649 = arith.constant 48 : index
    %swap3A_650 = tpu.vector_load %arg12[%swap3A_648, %swap3A_649] {strides = array<i32>} : memref<5x128xi32, #tpu.memory_space<vmem>>, vector<16xi32>,
    tpu.vector_store %arg12[%swap3A_648, %swap3A_649], %mul3A_646 {strides = array<i32>} : memref<5x128xi32, #tpu.memory_space<vmem>>, vector<16xi32>,
    %mul3A_651 = arith.constant 640 : i32
    %mul3A_652 = arith.muli %arg1, %mul3A_651 : i32
    %add3A_653 = arith.constant 512 : i32
    %add3A_654 = arith.addi %mul3A_652, %add3A_653 : i32
    %add3A_655 = arith.constant 64 : i32
    %add3A_656 = arith.addi %add3A_654, %add3A_655 : i32
    %add3A_657 = vector.broadcast %add3A_656 : i32 to vector<16xi32>
    %add3A_658 = arith.addi %add3A_657, %iota3A : vector<16xi32>
    %min3A_659 = arith.constant 9999 : i32
    %min3A_660 = vector.broadcast %min3A_659 : i32 to vector<16xi32>
    %min3A_661 = arith.minsi %add3A_658, %min3A_660 : vector<16xi32>
    %mul3A_662 = arith.constant 128 : i32
    %mul3A_663 = vector.broadcast %mul3A_662 : i32 to vector<16xi32>
    %mul3A_664 = arith.muli %min3A_661, %mul3A_663 : vector<16xi32>
    %swap3A_665 = arith.constant 4 : i32
    %swap3A_666 = arith.index_cast %swap3A_665 : i32 to index
    %swap3A_667 = arith.constant 64 : index
    %swap3A_668 = tpu.vector_load %arg12[%swap3A_666, %swap3A_667] {strides = array<i32>} : memref<5x128xi32, #tpu.memory_space<vmem>>, vector<16xi32>,
    tpu.vector_store %arg12[%swap3A_666, %swap3A_667], %mul3A_664 {strides = array<i32>} : memref<5x128xi32, #tpu.memory_space<vmem>>, vector<16xi32>,
    %mul3A_669 = arith.constant 640 : i32
    %mul3A_670 = arith.muli %arg1, %mul3A_669 : i32
    %add3A_671 = arith.constant 512 : i32
    %add3A_672 = arith.addi %mul3A_670, %add3A_671 : i32
    %add3A_673 = arith.constant 80 : i32
    %add3A_674 = arith.addi %add3A_672, %add3A_673 : i32
    %add3A_675 = vector.broadcast %add3A_674 : i32 to vector<16xi32>
    %add3A_676 = arith.addi %add3A_675, %iota3A : vector<16xi32>
    %min3A_677 = arith.constant 9999 : i32
    %min3A_678 = vector.broadcast %min3A_677 : i32 to vector<16xi32>
    %min3A_679 = arith.minsi %add3A_676, %min3A_678 : vector<16xi32>
    %mul3A_680 = arith.constant 128 : i32
    %mul3A_681 = vector.broadcast %mul3A_680 : i32 to vector<16xi32>
    %mul3A_682 = arith.muli %min3A_679, %mul3A_681 : vector<16xi32>
    %swap3A_683 = arith.constant 4 : i32
    %swap3A_684 = arith.index_cast %swap3A_683 : i32 to index
    %swap3A_685 = arith.constant 80 : index
    %swap3A_686 = tpu.vector_load %arg12[%swap3A_684, %swap3A_685] {strides = array<i32>} : memref<5x128xi32, #tpu.memory_space<vmem>>, vector<16xi32>,
    tpu.vector_store %arg12[%swap3A_684, %swap3A_685], %mul3A_682 {strides = array<i32>} : memref<5x128xi32, #tpu.memory_space<vmem>>, vector<16xi32>,
    %mul3A_687 = arith.constant 640 : i32
    %mul3A_688 = arith.muli %arg1, %mul3A_687 : i32
    %add3A_689 = arith.constant 512 : i32
    %add3A_690 = arith.addi %mul3A_688, %add3A_689 : i32
    %add3A_691 = arith.constant 96 : i32
    %add3A_692 = arith.addi %add3A_690, %add3A_691 : i32
    %add3A_693 = vector.broadcast %add3A_692 : i32 to vector<16xi32>
    %add3A_694 = arith.addi %add3A_693, %iota3A : vector<16xi32>
    %min3A_695 = arith.constant 9999 : i32
    %min3A_696 = vector.broadcast %min3A_695 : i32 to vector<16xi32>
    %min3A_697 = arith.minsi %add3A_694, %min3A_696 : vector<16xi32>
    %mul3A_698 = arith.constant 128 : i32
    %mul3A_699 = vector.broadcast %mul3A_698 : i32 to vector<16xi32>
    %mul3A_700 = arith.muli %min3A_697, %mul3A_699 : vector<16xi32>
    %swap3A_701 = arith.constant 4 : i32
    %swap3A_702 = arith.index_cast %swap3A_701 : i32 to index
    %swap3A_703 = arith.constant 96 : index
    %swap3A_704 = tpu.vector_load %arg12[%swap3A_702, %swap3A_703] {strides = array<i32>} : memref<5x128xi32, #tpu.memory_space<vmem>>, vector<16xi32>,
    tpu.vector_store %arg12[%swap3A_702, %swap3A_703], %mul3A_700 {strides = array<i32>} : memref<5x128xi32, #tpu.memory_space<vmem>>, vector<16xi32>,
    %mul3A_705 = arith.constant 640 : i32
    %mul3A_706 = arith.muli %arg1, %mul3A_705 : i32
    %add3A_707 = arith.constant 512 : i32
    %add3A_708 = arith.addi %mul3A_706, %add3A_707 : i32
    %add3A_709 = arith.constant 112 : i32
    %add3A_710 = arith.addi %add3A_708, %add3A_709 : i32
    %add3A_711 = vector.broadcast %add3A_710 : i32 to vector<16xi32>
    %add3A_712 = arith.addi %add3A_711, %iota3A : vector<16xi32>
    %min3A_713 = arith.constant 9999 : i32
    %min3A_714 = vector.broadcast %min3A_713 : i32 to vector<16xi32>
    %min3A_715 = arith.minsi %add3A_712, %min3A_714 : vector<16xi32>
    %mul3A_716 = arith.constant 128 : i32
    %mul3A_717 = vector.broadcast %mul3A_716 : i32 to vector<16xi32>
    %mul3A_718 = arith.muli %min3A_715, %mul3A_717 : vector<16xi32>
    %swap3A_719 = arith.constant 4 : i32
    %swap3A_720 = arith.index_cast %swap3A_719 : i32 to index
    %swap3A_721 = arith.constant 112 : index
    %swap3A_722 = tpu.vector_load %arg12[%swap3A_720, %swap3A_721] {strides = array<i32>} : memref<5x128xi32, #tpu.memory_space<vmem>>, vector<16xi32>,
    tpu.vector_store %arg12[%swap3A_720, %swap3A_721], %mul3A_718 {strides = array<i32>} : memref<5x128xi32, #tpu.memory_space<vmem>>, vector<16xi32>,
    %dma_start3A_723 = arith.constant 0 : i32
    %dma_start3A_724 = arith.constant 0 : i32
    %dma_start3A_725 = arith.constant 0 : i32
    %dma_start3A_726 = tpu.memref_slice %arg13[%dma_start3A_724, %dma_start3A_725] : memref<5x128xf32, #tpu.memory_space<vmem>> -> memref<1x128xf32, #tpu.memory_space<vmem>>
    %dma_start3A_727 = tpu.memref_squeeze %dma_start3A_726 : memref<1x128xf32, #tpu.memory_space<vmem>> -> memref<128xf32, #tpu.memory_space<vmem>>
    %dma_start3A_728 = arith.constant 0 : i32
    %dma_start3A_729 = tpu.memref_slice %arg12[%dma_start3A_723, %dma_start3A_728] : memref<5x128xi32, #tpu.memory_space<vmem>> -> memref<1x128xi32, #tpu.memory_space<vmem>>
    %dma_start3A_730 = tpu.memref_squeeze %dma_start3A_729 : memref<1x128xi32, #tpu.memory_space<vmem>> -> memref<128xi32, #tpu.memory_space<vmem>>
    %dma_start3A_731 = arith.constant 0 : i32
    %dma_start3A_732 = tpu.memref_slice %arg2[%dma_start3A_731] : memref<1280000xf32, #tpu.memory_space<hbm>> -> memref<1280000xf32, #tpu.memory_space<hbm>>
    tpu.enqueue_indirect_dma source(%dma_start3A_732 : memref<1280000xf32, #tpu.memory_space<hbm>>) target(%dma_start3A_727 : memref<128xf32, #tpu.memory_space<vmem>>) offsets(%dma_start3A_730 : memref<128xi32, #tpu.memory_space<vmem>>) semaphore(%arg21 : memref<!tpu.dma_semaphore, #tpu.memory_space<semaphore_mem>>)
    %dma_start3A_733 = arith.constant 1 : i32
    %dma_start3A_734 = arith.constant 1 : i32
    %dma_start3A_735 = arith.constant 0 : i32
    %dma_start3A_736 = tpu.memref_slice %arg13[%dma_start3A_734, %dma_start3A_735] : memref<5x128xf32, #tpu.memory_space<vmem>> -> memref<1x128xf32, #tpu.memory_space<vmem>>
    %dma_start3A_737 = tpu.memref_squeeze %dma_start3A_736 : memref<1x128xf32, #tpu.memory_space<vmem>> -> memref<128xf32, #tpu.memory_space<vmem>>
    %dma_start3A_738 = arith.constant 0 : i32
    %dma_start3A_739 = tpu.memref_slice %arg12[%dma_start3A_733, %dma_start3A_738] : memref<5x128xi32, #tpu.memory_space<vmem>> -> memref<1x128xi32, #tpu.memory_space<vmem>>
    %dma_start3A_740 = tpu.memref_squeeze %dma_start3A_739 : memref<1x128xi32, #tpu.memory_space<vmem>> -> memref<128xi32, #tpu.memory_space<vmem>>
    %dma_start3A_741 = arith.constant 0 : i32
    %dma_start3A_742 = tpu.memref_slice %arg2[%dma_start3A_741] : memref<1280000xf32, #tpu.memory_space<hbm>> -> memref<1280000xf32, #tpu.memory_space<hbm>>
    tpu.enqueue_indirect_dma source(%dma_start3A_742 : memref<1280000xf32, #tpu.memory_space<hbm>>) target(%dma_start3A_737 : memref<128xf32, #tpu.memory_space<vmem>>) offsets(%dma_start3A_740 : memref<128xi32, #tpu.memory_space<vmem>>) semaphore(%arg21 : memref<!tpu.dma_semaphore, #tpu.memory_space<semaphore_mem>>)
    %dma_start3A_743 = arith.constant 2 : i32
    %dma_start3A_744 = arith.constant 2 : i32
    %dma_start3A_745 = arith.constant 0 : i32
    %dma_start3A_746 = tpu.memref_slice %arg13[%dma_start3A_744, %dma_start3A_745] : memref<5x128xf32, #tpu.memory_space<vmem>> -> memref<1x128xf32, #tpu.memory_space<vmem>>
    %dma_start3A_747 = tpu.memref_squeeze %dma_start3A_746 : memref<1x128xf32, #tpu.memory_space<vmem>> -> memref<128xf32, #tpu.memory_space<vmem>>
    %dma_start3A_748 = arith.constant 0 : i32
    %dma_start3A_749 = tpu.memref_slice %arg12[%dma_start3A_743, %dma_start3A_748] : memref<5x128xi32, #tpu.memory_space<vmem>> -> memref<1x128xi32, #tpu.memory_space<vmem>>
    %dma_start3A_750 = tpu.memref_squeeze %dma_start3A_749 : memref<1x128xi32, #tpu.memory_space<vmem>> -> memref<128xi32, #tpu.memory_space<vmem>>
    %dma_start3A_751 = arith.constant 0 : i32
    %dma_start3A_752 = tpu.memref_slice %arg2[%dma_start3A_751] : memref<1280000xf32, #tpu.memory_space<hbm>> -> memref<1280000xf32, #tpu.memory_space<hbm>>
    tpu.enqueue_indirect_dma source(%dma_start3A_752 : memref<1280000xf32, #tpu.memory_space<hbm>>) target(%dma_start3A_747 : memref<128xf32, #tpu.memory_space<vmem>>) offsets(%dma_start3A_750 : memref<128xi32, #tpu.memory_space<vmem>>) semaphore(%arg21 : memref<!tpu.dma_semaphore, #tpu.memory_space<semaphore_mem>>)
    %dma_start3A_753 = arith.constant 3 : i32
    %dma_start3A_754 = arith.constant 3 : i32
    %dma_start3A_755 = arith.constant 0 : i32
    %dma_start3A_756 = tpu.memref_slice %arg13[%dma_start3A_754, %dma_start3A_755] : memref<5x128xf32, #tpu.memory_space<vmem>> -> memref<1x128xf32, #tpu.memory_space<vmem>>
    %dma_start3A_757 = tpu.memref_squeeze %dma_start3A_756 : memref<1x128xf32, #tpu.memory_space<vmem>> -> memref<128xf32, #tpu.memory_space<vmem>>
    %dma_start3A_758 = arith.constant 0 : i32
    %dma_start3A_759 = tpu.memref_slice %arg12[%dma_start3A_753, %dma_start3A_758] : memref<5x128xi32, #tpu.memory_space<vmem>> -> memref<1x128xi32, #tpu.memory_space<vmem>>
    %dma_start3A_760 = tpu.memref_squeeze %dma_start3A_759 : memref<1x128xi32, #tpu.memory_space<vmem>> -> memref<128xi32, #tpu.memory_space<vmem>>
    %dma_start3A_761 = arith.constant 0 : i32
    %dma_start3A_762 = tpu.memref_slice %arg2[%dma_start3A_761] : memref<1280000xf32, #tpu.memory_space<hbm>> -> memref<1280000xf32, #tpu.memory_space<hbm>>
    tpu.enqueue_indirect_dma source(%dma_start3A_762 : memref<1280000xf32, #tpu.memory_space<hbm>>) target(%dma_start3A_757 : memref<128xf32, #tpu.memory_space<vmem>>) offsets(%dma_start3A_760 : memref<128xi32, #tpu.memory_space<vmem>>) semaphore(%arg21 : memref<!tpu.dma_semaphore, #tpu.memory_space<semaphore_mem>>)
    %dma_start3A_763 = arith.constant 4 : i32
    %dma_start3A_764 = arith.constant 4 : i32
    %dma_start3A_765 = arith.constant 0 : i32
    %dma_start3A_766 = tpu.memref_slice %arg13[%dma_start3A_764, %dma_start3A_765] : memref<5x128xf32, #tpu.memory_space<vmem>> -> memref<1x128xf32, #tpu.memory_space<vmem>>
    %dma_start3A_767 = tpu.memref_squeeze %dma_start3A_766 : memref<1x128xf32, #tpu.memory_space<vmem>> -> memref<128xf32, #tpu.memory_space<vmem>>
    %dma_start3A_768 = arith.constant 0 : i32
    %dma_start3A_769 = tpu.memref_slice %arg12[%dma_start3A_763, %dma_start3A_768] : memref<5x128xi32, #tpu.memory_space<vmem>> -> memref<1x128xi32, #tpu.memory_space<vmem>>
    %dma_start3A_770 = tpu.memref_squeeze %dma_start3A_769 : memref<1x128xi32, #tpu.memory_space<vmem>> -> memref<128xi32, #tpu.memory_space<vmem>>
    %dma_start3A_771 = arith.constant 0 : i32
    %dma_start3A_772 = tpu.memref_slice %arg2[%dma_start3A_771] : memref<1280000xf32, #tpu.memory_space<hbm>> -> memref<1280000xf32, #tpu.memory_space<hbm>>
    tpu.enqueue_indirect_dma source(%dma_start3A_772 : memref<1280000xf32, #tpu.memory_space<hbm>>) target(%dma_start3A_767 : memref<128xf32, #tpu.memory_space<vmem>>) offsets(%dma_start3A_770 : memref<128xi32, #tpu.memory_space<vmem>>) semaphore(%arg21 : memref<!tpu.dma_semaphore, #tpu.memory_space<semaphore_mem>>)
    %dma_wait3A = arith.constant 0 : i32
    %dma_wait3A_773 = arith.constant 0 : i32
    %dma_wait3A_774 = arith.constant 0 : i32
    %dma_wait3A_775 = tpu.memref_slice %arg13[%dma_wait3A_773, %dma_wait3A_774] : memref<5x128xf32, #tpu.memory_space<vmem>> -> memref<1x128xf32, #tpu.memory_space<vmem>>
    %dma_wait3A_776 = tpu.memref_squeeze %dma_wait3A_775 : memref<1x128xf32, #tpu.memory_space<vmem>> -> memref<128xf32, #tpu.memory_space<vmem>>
    %dma_wait3A_777 = arith.constant 0 : i32
    %dma_wait3A_778 = tpu.memref_slice %arg12[%dma_wait3A, %dma_wait3A_777] : memref<5x128xi32, #tpu.memory_space<vmem>> -> memref<1x128xi32, #tpu.memory_space<vmem>>
    %dma_wait3A_779 = tpu.memref_squeeze %dma_wait3A_778 : memref<1x128xi32, #tpu.memory_space<vmem>> -> memref<128xi32, #tpu.memory_space<vmem>>
    %dma_wait3A_780 = arith.constant 0 : i32
    %dma_wait3A_781 = tpu.memref_slice %arg2[%dma_wait3A_780] : memref<1280000xf32, #tpu.memory_space<hbm>> -> memref<1280000xf32, #tpu.memory_space<hbm>>
    tpu.wait_indirect_dma semaphore(%arg21 : memref<!tpu.dma_semaphore, #tpu.memory_space<semaphore_mem>>) src(%dma_wait3A_781 : memref<1280000xf32, #tpu.memory_space<hbm>>) dst(%dma_wait3A_776 : memref<128xf32, #tpu.memory_space<vmem>>)
    %dma_wait3A_782 = arith.constant 1 : i32
    %dma_wait3A_783 = arith.constant 1 : i32
    %dma_wait3A_784 = arith.constant 0 : i32
    %dma_wait3A_785 = tpu.memref_slice %arg13[%dma_wait3A_783, %dma_wait3A_784] : memref<5x128xf32, #tpu.memory_space<vmem>> -> memref<1x128xf32, #tpu.memory_space<vmem>>
    %dma_wait3A_786 = tpu.memref_squeeze %dma_wait3A_785 : memref<1x128xf32, #tpu.memory_space<vmem>> -> memref<128xf32, #tpu.memory_space<vmem>>
    %dma_wait3A_787 = arith.constant 0 : i32
    %dma_wait3A_788 = tpu.memref_slice %arg12[%dma_wait3A_782, %dma_wait3A_787] : memref<5x128xi32, #tpu.memory_space<vmem>> -> memref<1x128xi32, #tpu.memory_space<vmem>>
    %dma_wait3A_789 = tpu.memref_squeeze %dma_wait3A_788 : memref<1x128xi32, #tpu.memory_space<vmem>> -> memref<128xi32, #tpu.memory_space<vmem>>
    %dma_wait3A_790 = arith.constant 0 : i32
    %dma_wait3A_791 = tpu.memref_slice %arg2[%dma_wait3A_790] : memref<1280000xf32, #tpu.memory_space<hbm>> -> memref<1280000xf32, #tpu.memory_space<hbm>>
    tpu.wait_indirect_dma semaphore(%arg21 : memref<!tpu.dma_semaphore, #tpu.memory_space<semaphore_mem>>) src(%dma_wait3A_791 : memref<1280000xf32, #tpu.memory_space<hbm>>) dst(%dma_wait3A_786 : memref<128xf32, #tpu.memory_space<vmem>>)
    %dma_wait3A_792 = arith.constant 2 : i32
    %dma_wait3A_793 = arith.constant 2 : i32
    %dma_wait3A_794 = arith.constant 0 : i32
    %dma_wait3A_795 = tpu.memref_slice %arg13[%dma_wait3A_793, %dma_wait3A_794] : memref<5x128xf32, #tpu.memory_space<vmem>> -> memref<1x128xf32, #tpu.memory_space<vmem>>
    %dma_wait3A_796 = tpu.memref_squeeze %dma_wait3A_795 : memref<1x128xf32, #tpu.memory_space<vmem>> -> memref<128xf32, #tpu.memory_space<vmem>>
    %dma_wait3A_797 = arith.constant 0 : i32
    %dma_wait3A_798 = tpu.memref_slice %arg12[%dma_wait3A_792, %dma_wait3A_797] : memref<5x128xi32, #tpu.memory_space<vmem>> -> memref<1x128xi32, #tpu.memory_space<vmem>>
    %dma_wait3A_799 = tpu.memref_squeeze %dma_wait3A_798 : memref<1x128xi32, #tpu.memory_space<vmem>> -> memref<128xi32, #tpu.memory_space<vmem>>
    %dma_wait3A_800 = arith.constant 0 : i32
    %dma_wait3A_801 = tpu.memref_slice %arg2[%dma_wait3A_800] : memref<1280000xf32, #tpu.memory_space<hbm>> -> memref<1280000xf32, #tpu.memory_space<hbm>>
    tpu.wait_indirect_dma semaphore(%arg21 : memref<!tpu.dma_semaphore, #tpu.memory_space<semaphore_mem>>) src(%dma_wait3A_801 : memref<1280000xf32, #tpu.memory_space<hbm>>) dst(%dma_wait3A_796 : memref<128xf32, #tpu.memory_space<vmem>>)
    %dma_wait3A_802 = arith.constant 3 : i32
    %dma_wait3A_803 = arith.constant 3 : i32
    %dma_wait3A_804 = arith.constant 0 : i32
    %dma_wait3A_805 = tpu.memref_slice %arg13[%dma_wait3A_803, %dma_wait3A_804] : memref<5x128xf32, #tpu.memory_space<vmem>> -> memref<1x128xf32, #tpu.memory_space<vmem>>
    %dma_wait3A_806 = tpu.memref_squeeze %dma_wait3A_805 : memref<1x128xf32, #tpu.memory_space<vmem>> -> memref<128xf32, #tpu.memory_space<vmem>>
    %dma_wait3A_807 = arith.constant 0 : i32
    %dma_wait3A_808 = tpu.memref_slice %arg12[%dma_wait3A_802, %dma_wait3A_807] : memref<5x128xi32, #tpu.memory_space<vmem>> -> memref<1x128xi32, #tpu.memory_space<vmem>>
    %dma_wait3A_809 = tpu.memref_squeeze %dma_wait3A_808 : memref<1x128xi32, #tpu.memory_space<vmem>> -> memref<128xi32, #tpu.memory_space<vmem>>
    %dma_wait3A_810 = arith.constant 0 : i32
    %dma_wait3A_811 = tpu.memref_slice %arg2[%dma_wait3A_810] : memref<1280000xf32, #tpu.memory_space<hbm>> -> memref<1280000xf32, #tpu.memory_space<hbm>>
    tpu.wait_indirect_dma semaphore(%arg21 : memref<!tpu.dma_semaphore, #tpu.memory_space<semaphore_mem>>) src(%dma_wait3A_811 : memref<1280000xf32, #tpu.memory_space<hbm>>) dst(%dma_wait3A_806 : memref<128xf32, #tpu.memory_space<vmem>>)
    %dma_wait3A_812 = arith.constant 4 : i32
    %dma_wait3A_813 = arith.constant 4 : i32
    %dma_wait3A_814 = arith.constant 0 : i32
    %dma_wait3A_815 = tpu.memref_slice %arg13[%dma_wait3A_813, %dma_wait3A_814] : memref<5x128xf32, #tpu.memory_space<vmem>> -> memref<1x128xf32, #tpu.memory_space<vmem>>
    %dma_wait3A_816 = tpu.memref_squeeze %dma_wait3A_815 : memref<1x128xf32, #tpu.memory_space<vmem>> -> memref<128xf32, #tpu.memory_space<vmem>>
    %dma_wait3A_817 = arith.constant 0 : i32
    %dma_wait3A_818 = tpu.memref_slice %arg12[%dma_wait3A_812, %dma_wait3A_817] : memref<5x128xi32, #tpu.memory_space<vmem>> -> memref<1x128xi32, #tpu.memory_space<vmem>>
    %dma_wait3A_819 = tpu.memref_squeeze %dma_wait3A_818 : memref<1x128xi32, #tpu.memory_space<vmem>> -> memref<128xi32, #tpu.memory_space<vmem>>
    %dma_wait3A_820 = arith.constant 0 : i32
    %dma_wait3A_821 = tpu.memref_slice %arg2[%dma_wait3A_820] : memref<1280000xf32, #tpu.memory_space<hbm>> -> memref<1280000xf32, #tpu.memory_space<hbm>>
    tpu.wait_indirect_dma semaphore(%arg21 : memref<!tpu.dma_semaphore, #tpu.memory_space<semaphore_mem>>) src(%dma_wait3A_821 : memref<1280000xf32, #tpu.memory_space<hbm>>) dst(%dma_wait3A_816 : memref<128xf32, #tpu.memory_space<vmem>>)
    %mul3A_822 = arith.constant 640 : i32
    %mul3A_823 = arith.muli %arg1, %mul3A_822 : i32
    %add3A_824 = arith.constant 0 : i32
    %add3A_825 = arith.addi %mul3A_823, %add3A_824 : i32
    %run_scoped3A = arith.constant 0 : i32
    "tpu.region"() ({
      %run_scoped3A_875 = tpu.sem_alloc : memref<!tpu.dma_semaphore, #tpu.memory_space<semaphore_mem>>
      %dma_start3A_876 = arith.constant 0 : i32
      %dma_start3A_877 = tpu.memref_slice %arg13[%run_scoped3A, %dma_start3A_876] : memref<5x128xf32, #tpu.memory_space<vmem>> -> memref<1x128xf32, #tpu.memory_space<vmem>>
      %dma_start3A_878 = tpu.memref_squeeze %dma_start3A_877 : memref<1x128xf32, #tpu.memory_space<vmem>> -> memref<128xf32, #tpu.memory_space<vmem>>
      %dma_start3A_879 = tpu.memref_slice %arg18[%add3A_825] : memref<10240xf32, #tpu.memory_space<vmem_shared>> -> memref<128xf32, #tpu.memory_space<vmem_shared>>
      %dma_start3A_880 = tpu.memref_slice %arg18[%add3A_825] : memref<10240xf32, #tpu.memory_space<vmem_shared>> -> memref<128xf32, #tpu.memory_space<vmem_shared>>
      %dma_start3A_881 = arith.constant 0 : i32
      %dma_start3A_882 = tpu.memref_slice %arg13[%run_scoped3A, %dma_start3A_881] : memref<5x128xf32, #tpu.memory_space<vmem>> -> memref<1x128xf32, #tpu.memory_space<vmem>>
      %dma_start3A_883 = tpu.memref_squeeze %dma_start3A_882 : memref<1x128xf32, #tpu.memory_space<vmem>> -> memref<128xf32, #tpu.memory_space<vmem>>
      tpu.enqueue_dma source(%dma_start3A_883 : memref<128xf32, #tpu.memory_space<vmem>>) target(%dma_start3A_880 : memref<128xf32, #tpu.memory_space<vmem_shared>>) target_semaphore(%run_scoped3A_875 : memref<!tpu.dma_semaphore, #tpu.memory_space<semaphore_mem>>)
      %dma_wait3A_884 = arith.constant 0 : i32
      %dma_wait3A_885 = tpu.memref_slice %arg13[%run_scoped3A, %dma_wait3A_884] : memref<5x128xf32, #tpu.memory_space<vmem>> -> memref<1x128xf32, #tpu.memory_space<vmem>>
      %dma_wait3A_886 = tpu.memref_squeeze %dma_wait3A_885 : memref<1x128xf32, #tpu.memory_space<vmem>> -> memref<128xf32, #tpu.memory_space<vmem>>
      %dma_wait3A_887 = tpu.memref_slice %arg18[%add3A_825] : memref<10240xf32, #tpu.memory_space<vmem_shared>> -> memref<128xf32, #tpu.memory_space<vmem_shared>>
      %dma_wait3A_888 = tpu.memref_slice %arg18[%add3A_825] : memref<10240xf32, #tpu.memory_space<vmem_shared>> -> memref<128xf32, #tpu.memory_space<vmem_shared>>
      %dma_wait3A_889 = arith.constant 0 : i32
      %dma_wait3A_890 = tpu.memref_slice %arg13[%run_scoped3A, %dma_wait3A_889] : memref<5x128xf32, #tpu.memory_space<vmem>> -> memref<1x128xf32, #tpu.memory_space<vmem>>
      %dma_wait3A_891 = tpu.memref_squeeze %dma_wait3A_890 : memref<1x128xf32, #tpu.memory_space<vmem>> -> memref<128xf32, #tpu.memory_space<vmem>>
      tpu.wait_dma2 semaphore(%run_scoped3A_875 : memref<!tpu.dma_semaphore, #tpu.memory_space<semaphore_mem>>) src(%dma_wait3A_891 : memref<128xf32, #tpu.memory_space<vmem>>) dst(%dma_wait3A_888 : memref<128xf32, #tpu.memory_space<vmem_shared>>)
      tpu.yield
    }) : () -> ()
    %mul3A_826 = arith.constant 640 : i32
    %mul3A_827 = arith.muli %arg1, %mul3A_826 : i32
    %add3A_828 = arith.constant 128 : i32
    %add3A_829 = arith.addi %mul3A_827, %add3A_828 : i32
    %run_scoped3A_830 = arith.constant 1 : i32
    "tpu.region"() ({
      %run_scoped3A_875 = tpu.sem_alloc : memref<!tpu.dma_semaphore, #tpu.memory_space<semaphore_mem>>
      %dma_start3A_876 = arith.constant 0 : i32
      %dma_start3A_877 = tpu.memref_slice %arg13[%run_scoped3A_830, %dma_start3A_876] : memref<5x128xf32, #tpu.memory_space<vmem>> -> memref<1x128xf32, #tpu.memory_space<vmem>>
      %dma_start3A_878 = tpu.memref_squeeze %dma_start3A_877 : memref<1x128xf32, #tpu.memory_space<vmem>> -> memref<128xf32, #tpu.memory_space<vmem>>
      %dma_start3A_879 = tpu.memref_slice %arg18[%add3A_829] : memref<10240xf32, #tpu.memory_space<vmem_shared>> -> memref<128xf32, #tpu.memory_space<vmem_shared>>
      %dma_start3A_880 = tpu.memref_slice %arg18[%add3A_829] : memref<10240xf32, #tpu.memory_space<vmem_shared>> -> memref<128xf32, #tpu.memory_space<vmem_shared>>
      %dma_start3A_881 = arith.constant 0 : i32
      %dma_start3A_882 = tpu.memref_slice %arg13[%run_scoped3A_830, %dma_start3A_881] : memref<5x128xf32, #tpu.memory_space<vmem>> -> memref<1x128xf32, #tpu.memory_space<vmem>>
      %dma_start3A_883 = tpu.memref_squeeze %dma_start3A_882 : memref<1x128xf32, #tpu.memory_space<vmem>> -> memref<128xf32, #tpu.memory_space<vmem>>
      tpu.enqueue_dma source(%dma_start3A_883 : memref<128xf32, #tpu.memory_space<vmem>>) target(%dma_start3A_880 : memref<128xf32, #tpu.memory_space<vmem_shared>>) target_semaphore(%run_scoped3A_875 : memref<!tpu.dma_semaphore, #tpu.memory_space<semaphore_mem>>)
      %dma_wait3A_884 = arith.constant 0 : i32
      %dma_wait3A_885 = tpu.memref_slice %arg13[%run_scoped3A_830, %dma_wait3A_884] : memref<5x128xf32, #tpu.memory_space<vmem>> -> memref<1x128xf32, #tpu.memory_space<vmem>>
      %dma_wait3A_886 = tpu.memref_squeeze %dma_wait3A_885 : memref<1x128xf32, #tpu.memory_space<vmem>> -> memref<128xf32, #tpu.memory_space<vmem>>
      %dma_wait3A_887 = tpu.memref_slice %arg18[%add3A_829] : memref<10240xf32, #tpu.memory_space<vmem_shared>> -> memref<128xf32, #tpu.memory_space<vmem_shared>>
      %dma_wait3A_888 = tpu.memref_slice %arg18[%add3A_829] : memref<10240xf32, #tpu.memory_space<vmem_shared>> -> memref<128xf32, #tpu.memory_space<vmem_shared>>
      %dma_wait3A_889 = arith.constant 0 : i32
      %dma_wait3A_890 = tpu.memref_slice %arg13[%run_scoped3A_830, %dma_wait3A_889] : memref<5x128xf32, #tpu.memory_space<vmem>> -> memref<1x128xf32, #tpu.memory_space<vmem>>
      %dma_wait3A_891 = tpu.memref_squeeze %dma_wait3A_890 : memref<1x128xf32, #tpu.memory_space<vmem>> -> memref<128xf32, #tpu.memory_space<vmem>>
      tpu.wait_dma2 semaphore(%run_scoped3A_875 : memref<!tpu.dma_semaphore, #tpu.memory_space<semaphore_mem>>) src(%dma_wait3A_891 : memref<128xf32, #tpu.memory_space<vmem>>) dst(%dma_wait3A_888 : memref<128xf32, #tpu.memory_space<vmem_shared>>)
      tpu.yield
    }) : () -> ()
    %mul3A_831 = arith.constant 640 : i32
    %mul3A_832 = arith.muli %arg1, %mul3A_831 : i32
    %add3A_833 = arith.constant 256 : i32
    %add3A_834 = arith.addi %mul3A_832, %add3A_833 : i32
    %run_scoped3A_835 = arith.constant 2 : i32
    "tpu.region"() ({
      %run_scoped3A_875 = tpu.sem_alloc : memref<!tpu.dma_semaphore, #tpu.memory_space<semaphore_mem>>
      %dma_start3A_876 = arith.constant 0 : i32
      %dma_start3A_877 = tpu.memref_slice %arg13[%run_scoped3A_835, %dma_start3A_876] : memref<5x128xf32, #tpu.memory_space<vmem>> -> memref<1x128xf32, #tpu.memory_space<vmem>>
      %dma_start3A_878 = tpu.memref_squeeze %dma_start3A_877 : memref<1x128xf32, #tpu.memory_space<vmem>> -> memref<128xf32, #tpu.memory_space<vmem>>
      %dma_start3A_879 = tpu.memref_slice %arg18[%add3A_834] : memref<10240xf32, #tpu.memory_space<vmem_shared>> -> memref<128xf32, #tpu.memory_space<vmem_shared>>
      %dma_start3A_880 = tpu.memref_slice %arg18[%add3A_834] : memref<10240xf32, #tpu.memory_space<vmem_shared>> -> memref<128xf32, #tpu.memory_space<vmem_shared>>
      %dma_start3A_881 = arith.constant 0 : i32
      %dma_start3A_882 = tpu.memref_slice %arg13[%run_scoped3A_835, %dma_start3A_881] : memref<5x128xf32, #tpu.memory_space<vmem>> -> memref<1x128xf32, #tpu.memory_space<vmem>>
      %dma_start3A_883 = tpu.memref_squeeze %dma_start3A_882 : memref<1x128xf32, #tpu.memory_space<vmem>> -> memref<128xf32, #tpu.memory_space<vmem>>
      tpu.enqueue_dma source(%dma_start3A_883 : memref<128xf32, #tpu.memory_space<vmem>>) target(%dma_start3A_880 : memref<128xf32, #tpu.memory_space<vmem_shared>>) target_semaphore(%run_scoped3A_875 : memref<!tpu.dma_semaphore, #tpu.memory_space<semaphore_mem>>)
      %dma_wait3A_884 = arith.constant 0 : i32
      %dma_wait3A_885 = tpu.memref_slice %arg13[%run_scoped3A_835, %dma_wait3A_884] : memref<5x128xf32, #tpu.memory_space<vmem>> -> memref<1x128xf32, #tpu.memory_space<vmem>>
      %dma_wait3A_886 = tpu.memref_squeeze %dma_wait3A_885 : memref<1x128xf32, #tpu.memory_space<vmem>> -> memref<128xf32, #tpu.memory_space<vmem>>
      %dma_wait3A_887 = tpu.memref_slice %arg18[%add3A_834] : memref<10240xf32, #tpu.memory_space<vmem_shared>> -> memref<128xf32, #tpu.memory_space<vmem_shared>>
      %dma_wait3A_888 = tpu.memref_slice %arg18[%add3A_834] : memref<10240xf32, #tpu.memory_space<vmem_shared>> -> memref<128xf32, #tpu.memory_space<vmem_shared>>
      %dma_wait3A_889 = arith.constant 0 : i32
      %dma_wait3A_890 = tpu.memref_slice %arg13[%run_scoped3A_835, %dma_wait3A_889] : memref<5x128xf32, #tpu.memory_space<vmem>> -> memref<1x128xf32, #tpu.memory_space<vmem>>
      %dma_wait3A_891 = tpu.memref_squeeze %dma_wait3A_890 : memref<1x128xf32, #tpu.memory_space<vmem>> -> memref<128xf32, #tpu.memory_space<vmem>>
      tpu.wait_dma2 semaphore(%run_scoped3A_875 : memref<!tpu.dma_semaphore, #tpu.memory_space<semaphore_mem>>) src(%dma_wait3A_891 : memref<128xf32, #tpu.memory_space<vmem>>) dst(%dma_wait3A_888 : memref<128xf32, #tpu.memory_space<vmem_shared>>)
      tpu.yield
    }) : () -> ()
    %mul3A_836 = arith.constant 640 : i32
    %mul3A_837 = arith.muli %arg1, %mul3A_836 : i32
    %add3A_838 = arith.constant 384 : i32
    %add3A_839 = arith.addi %mul3A_837, %add3A_838 : i32
    %run_scoped3A_840 = arith.constant 3 : i32
    "tpu.region"() ({
      %run_scoped3A_875 = tpu.sem_alloc : memref<!tpu.dma_semaphore, #tpu.memory_space<semaphore_mem>>
      %dma_start3A_876 = arith.constant 0 : i32
      %dma_start3A_877 = tpu.memref_slice %arg13[%run_scoped3A_840, %dma_start3A_876] : memref<5x128xf32, #tpu.memory_space<vmem>> -> memref<1x128xf32, #tpu.memory_space<vmem>>
      %dma_start3A_878 = tpu.memref_squeeze %dma_start3A_877 : memref<1x128xf32, #tpu.memory_space<vmem>> -> memref<128xf32, #tpu.memory_space<vmem>>
      %dma_start3A_879 = tpu.memref_slice %arg18[%add3A_839] : memref<10240xf32, #tpu.memory_space<vmem_shared>> -> memref<128xf32, #tpu.memory_space<vmem_shared>>
      %dma_start3A_880 = tpu.memref_slice %arg18[%add3A_839] : memref<10240xf32, #tpu.memory_space<vmem_shared>> -> memref<128xf32, #tpu.memory_space<vmem_shared>>
      %dma_start3A_881 = arith.constant 0 : i32
      %dma_start3A_882 = tpu.memref_slice %arg13[%run_scoped3A_840, %dma_start3A_881] : memref<5x128xf32, #tpu.memory_space<vmem>> -> memref<1x128xf32, #tpu.memory_space<vmem>>
      %dma_start3A_883 = tpu.memref_squeeze %dma_start3A_882 : memref<1x128xf32, #tpu.memory_space<vmem>> -> memref<128xf32, #tpu.memory_space<vmem>>
      tpu.enqueue_dma source(%dma_start3A_883 : memref<128xf32, #tpu.memory_space<vmem>>) target(%dma_start3A_880 : memref<128xf32, #tpu.memory_space<vmem_shared>>) target_semaphore(%run_scoped3A_875 : memref<!tpu.dma_semaphore, #tpu.memory_space<semaphore_mem>>)
      %dma_wait3A_884 = arith.constant 0 : i32
      %dma_wait3A_885 = tpu.memref_slice %arg13[%run_scoped3A_840, %dma_wait3A_884] : memref<5x128xf32, #tpu.memory_space<vmem>> -> memref<1x128xf32, #tpu.memory_space<vmem>>
      %dma_wait3A_886 = tpu.memref_squeeze %dma_wait3A_885 : memref<1x128xf32, #tpu.memory_space<vmem>> -> memref<128xf32, #tpu.memory_space<vmem>>
      %dma_wait3A_887 = tpu.memref_slice %arg18[%add3A_839] : memref<10240xf32, #tpu.memory_space<vmem_shared>> -> memref<128xf32, #tpu.memory_space<vmem_shared>>
      %dma_wait3A_888 = tpu.memref_slice %arg18[%add3A_839] : memref<10240xf32, #tpu.memory_space<vmem_shared>> -> memref<128xf32, #tpu.memory_space<vmem_shared>>
      %dma_wait3A_889 = arith.constant 0 : i32
      %dma_wait3A_890 = tpu.memref_slice %arg13[%run_scoped3A_840, %dma_wait3A_889] : memref<5x128xf32, #tpu.memory_space<vmem>> -> memref<1x128xf32, #tpu.memory_space<vmem>>
      %dma_wait3A_891 = tpu.memref_squeeze %dma_wait3A_890 : memref<1x128xf32, #tpu.memory_space<vmem>> -> memref<128xf32, #tpu.memory_space<vmem>>
      tpu.wait_dma2 semaphore(%run_scoped3A_875 : memref<!tpu.dma_semaphore, #tpu.memory_space<semaphore_mem>>) src(%dma_wait3A_891 : memref<128xf32, #tpu.memory_space<vmem>>) dst(%dma_wait3A_888 : memref<128xf32, #tpu.memory_space<vmem_shared>>)
      tpu.yield
    }) : () -> ()
    %mul3A_841 = arith.constant 640 : i32
    %mul3A_842 = arith.muli %arg1, %mul3A_841 : i32
    %add3A_843 = arith.constant 512 : i32
    %add3A_844 = arith.addi %mul3A_842, %add3A_843 : i32
    %run_scoped3A_845 = arith.constant 4 : i32
    "tpu.region"() ({
      %run_scoped3A_875 = tpu.sem_alloc : memref<!tpu.dma_semaphore, #tpu.memory_space<semaphore_mem>>
      %dma_start3A_876 = arith.constant 0 : i32
      %dma_start3A_877 = tpu.memref_slice %arg13[%run_scoped3A_845, %dma_start3A_876] : memref<5x128xf32, #tpu.memory_space<vmem>> -> memref<1x128xf32, #tpu.memory_space<vmem>>
      %dma_start3A_878 = tpu.memref_squeeze %dma_start3A_877 : memref<1x128xf32, #tpu.memory_space<vmem>> -> memref<128xf32, #tpu.memory_space<vmem>>
      %dma_start3A_879 = tpu.memref_slice %arg18[%add3A_844] : memref<10240xf32, #tpu.memory_space<vmem_shared>> -> memref<128xf32, #tpu.memory_space<vmem_shared>>
      %dma_start3A_880 = tpu.memref_slice %arg18[%add3A_844] : memref<10240xf32, #tpu.memory_space<vmem_shared>> -> memref<128xf32, #tpu.memory_space<vmem_shared>>
      %dma_start3A_881 = arith.constant 0 : i32
      %dma_start3A_882 = tpu.memref_slice %arg13[%run_scoped3A_845, %dma_start3A_881] : memref<5x128xf32, #tpu.memory_space<vmem>> -> memref<1x128xf32, #tpu.memory_space<vmem>>
      %dma_start3A_883 = tpu.memref_squeeze %dma_start3A_882 : memref<1x128xf32, #tpu.memory_space<vmem>> -> memref<128xf32, #tpu.memory_space<vmem>>
      tpu.enqueue_dma source(%dma_start3A_883 : memref<128xf32, #tpu.memory_space<vmem>>) target(%dma_start3A_880 : memref<128xf32, #tpu.memory_space<vmem_shared>>) target_semaphore(%run_scoped3A_875 : memref<!tpu.dma_semaphore, #tpu.memory_space<semaphore_mem>>)
      %dma_wait3A_884 = arith.constant 0 : i32
      %dma_wait3A_885 = tpu.memref_slice %arg13[%run_scoped3A_845, %dma_wait3A_884] : memref<5x128xf32, #tpu.memory_space<vmem>> -> memref<1x128xf32, #tpu.memory_space<vmem>>
      %dma_wait3A_886 = tpu.memref_squeeze %dma_wait3A_885 : memref<1x128xf32, #tpu.memory_space<vmem>> -> memref<128xf32, #tpu.memory_space<vmem>>
      %dma_wait3A_887 = tpu.memref_slice %arg18[%add3A_844] : memref<10240xf32, #tpu.memory_space<vmem_shared>> -> memref<128xf32, #tpu.memory_space<vmem_shared>>
      %dma_wait3A_888 = tpu.memref_slice %arg18[%add3A_844] : memref<10240xf32, #tpu.memory_space<vmem_shared>> -> memref<128xf32, #tpu.memory_space<vmem_shared>>
      %dma_wait3A_889 = arith.constant 0 : i32
      %dma_wait3A_890 = tpu.memref_slice %arg13[%run_scoped3A_845, %dma_wait3A_889] : memref<5x128xf32, #tpu.memory_space<vmem>> -> memref<1x128xf32, #tpu.memory_space<vmem>>
      %dma_wait3A_891 = tpu.memref_squeeze %dma_wait3A_890 : memref<1x128xf32, #tpu.memory_space<vmem>> -> memref<128xf32, #tpu.memory_space<vmem>>
      tpu.wait_dma2 semaphore(%run_scoped3A_875 : memref<!tpu.dma_semaphore, #tpu.memory_space<semaphore_mem>>) src(%dma_wait3A_891 : memref<128xf32, #tpu.memory_space<vmem>>) dst(%dma_wait3A_888 : memref<128xf32, #tpu.memory_space<vmem_shared>>)
      tpu.yield
    }) : () -> ()
    %barrier3A = arith.constant 0 : index
    tpu.barrier barrier_id(%barrier3A)
    "tpu.region"() ({
      %run_scoped3A_875 = tpu.sem_alloc : memref<!tpu.dma_semaphore, #tpu.memory_space<semaphore_mem>>
      tpu.enqueue_dma source(%arg18 : memref<10240xf32, #tpu.memory_space<vmem_shared>>) target(%arg7 : memref<10240xf32, #tpu.memory_space<vmem>>) target_semaphore(%run_scoped3A_875 : memref<!tpu.dma_semaphore, #tpu.memory_space<semaphore_mem>>)
      tpu.wait_dma2 semaphore(%run_scoped3A_875 : memref<!tpu.dma_semaphore, #tpu.memory_space<semaphore_mem>>) src(%arg18 : memref<10240xf32, #tpu.memory_space<vmem_shared>>) dst(%arg7 : memref<10240xf32, #tpu.memory_space<vmem>>)
      tpu.yield
    }) : () -> ()
    %broadcast_in_dim3A = arith.constant 0.000000e+00 : f32
    %broadcast_in_dim3A_846 = vector.broadcast %broadcast_in_dim3A : f32 to vector<16xf32>
    %scan3A = arith.constant 0 : i32
    %scan3A_847 = arith.constant 0 : i32
    %scan3A_848 = arith.constant 80 : i32
    %scan3A_849 = arith.addi %scan3A_847, %scan3A_848 : i32
    %scan3A_850 = arith.constant 1 : i32
    %scan3A_851 = scf.for %scan3A_875 = %scan3A_847 to %scan3A_849 step %scan3A_850 iter_args(%scan3A_876 = %scan3A) -> (i32)  : i32 {
      %mul3A_877 = arith.constant 8 : i32
      %mul3A_878 = arith.muli %scan3A_875, %mul3A_877 : i32
      %add3A_879 = arith.constant 0 : i32
      %add3A_880 = arith.addi %mul3A_878, %add3A_879 : i32
      %mul3A_881 = arith.constant 16 : i32
      %mul3A_882 = arith.muli %add3A_880, %mul3A_881 : i32
      %swap3A_883 = arith.index_cast %mul3A_882 : i32 to index
      %swap3A_884 = tpu.vector_load %arg8[%swap3A_883] {strides = array<i32>} : memref<10240xf32, #tpu.memory_space<vmem>>, vector<16xf32>,
      tpu.vector_store %arg8[%swap3A_883], %broadcast_in_dim3A_846 {strides = array<i32>} : memref<10240xf32, #tpu.memory_space<vmem>>, vector<16xf32>,
      %mul3A_885 = arith.constant 8 : i32
      %mul3A_886 = arith.muli %scan3A_875, %mul3A_885 : i32
      %add3A_887 = arith.constant 1 : i32
      %add3A_888 = arith.addi %mul3A_886, %add3A_887 : i32
      %mul3A_889 = arith.constant 16 : i32
      %mul3A_890 = arith.muli %add3A_888, %mul3A_889 : i32
      %swap3A_891 = arith.index_cast %mul3A_890 : i32 to index
      %swap3A_892 = tpu.vector_load %arg8[%swap3A_891] {strides = array<i32>} : memref<10240xf32, #tpu.memory_space<vmem>>, vector<16xf32>,
      tpu.vector_store %arg8[%swap3A_891], %broadcast_in_dim3A_846 {strides = array<i32>} : memref<10240xf32, #tpu.memory_space<vmem>>, vector<16xf32>,
      %mul3A_893 = arith.constant 8 : i32
      %mul3A_894 = arith.muli %scan3A_875, %mul3A_893 : i32
      %add3A_895 = arith.constant 2 : i32
      %add3A_896 = arith.addi %mul3A_894, %add3A_895 : i32
      %mul3A_897 = arith.constant 16 : i32
      %mul3A_898 = arith.muli %add3A_896, %mul3A_897 : i32
      %swap3A_899 = arith.index_cast %mul3A_898 : i32 to index
      %swap3A_900 = tpu.vector_load %arg8[%swap3A_899] {strides = array<i32>} : memref<10240xf32, #tpu.memory_space<vmem>>, vector<16xf32>,
      tpu.vector_store %arg8[%swap3A_899], %broadcast_in_dim3A_846 {strides = array<i32>} : memref<10240xf32, #tpu.memory_space<vmem>>, vector<16xf32>,
      %mul3A_901 = arith.constant 8 : i32
      %mul3A_902 = arith.muli %scan3A_875, %mul3A_901 : i32
      %add3A_903 = arith.constant 3 : i32
      %add3A_904 = arith.addi %mul3A_902, %add3A_903 : i32
      %mul3A_905 = arith.constant 16 : i32
      %mul3A_906 = arith.muli %add3A_904, %mul3A_905 : i32
      %swap3A_907 = arith.index_cast %mul3A_906 : i32 to index
      %swap3A_908 = tpu.vector_load %arg8[%swap3A_907] {strides = array<i32>} : memref<10240xf32, #tpu.memory_space<vmem>>, vector<16xf32>,
      tpu.vector_store %arg8[%swap3A_907], %broadcast_in_dim3A_846 {strides = array<i32>} : memref<10240xf32, #tpu.memory_space<vmem>>, vector<16xf32>,
      %mul3A_909 = arith.constant 8 : i32
      %mul3A_910 = arith.muli %scan3A_875, %mul3A_909 : i32
      %add3A_911 = arith.constant 4 : i32
      %add3A_912 = arith.addi %mul3A_910, %add3A_911 : i32
      %mul3A_913 = arith.constant 16 : i32
      %mul3A_914 = arith.muli %add3A_912, %mul3A_913 : i32
      %swap3A_915 = arith.index_cast %mul3A_914 : i32 to index
      %swap3A_916 = tpu.vector_load %arg8[%swap3A_915] {strides = array<i32>} : memref<10240xf32, #tpu.memory_space<vmem>>, vector<16xf32>,
      tpu.vector_store %arg8[%swap3A_915], %broadcast_in_dim3A_846 {strides = array<i32>} : memref<10240xf32, #tpu.memory_space<vmem>>, vector<16xf32>,
      %mul3A_917 = arith.constant 8 : i32
      %mul3A_918 = arith.muli %scan3A_875, %mul3A_917 : i32
      %add3A_919 = arith.constant 5 : i32
      %add3A_920 = arith.addi %mul3A_918, %add3A_919 : i32
      %mul3A_921 = arith.constant 16 : i32
      %mul3A_922 = arith.muli %add3A_920, %mul3A_921 : i32
      %swap3A_923 = arith.index_cast %mul3A_922 : i32 to index
      %swap3A_924 = tpu.vector_load %arg8[%swap3A_923] {strides = array<i32>} : memref<10240xf32, #tpu.memory_space<vmem>>, vector<16xf32>,
      tpu.vector_store %arg8[%swap3A_923], %broadcast_in_dim3A_846 {strides = array<i32>} : memref<10240xf32, #tpu.memory_space<vmem>>, vector<16xf32>,
      %mul3A_925 = arith.constant 8 : i32
      %mul3A_926 = arith.muli %scan3A_875, %mul3A_925 : i32
      %add3A_927 = arith.constant 6 : i32
      %add3A_928 = arith.addi %mul3A_926, %add3A_927 : i32
      %mul3A_929 = arith.constant 16 : i32
      %mul3A_930 = arith.muli %add3A_928, %mul3A_929 : i32
      %swap3A_931 = arith.index_cast %mul3A_930 : i32 to index
      %swap3A_932 = tpu.vector_load %arg8[%swap3A_931] {strides = array<i32>} : memref<10240xf32, #tpu.memory_space<vmem>>, vector<16xf32>,
      tpu.vector_store %arg8[%swap3A_931], %broadcast_in_dim3A_846 {strides = array<i32>} : memref<10240xf32, #tpu.memory_space<vmem>>, vector<16xf32>,
      %mul3A_933 = arith.constant 8 : i32
      %mul3A_934 = arith.muli %scan3A_875, %mul3A_933 : i32
      %add3A_935 = arith.constant 7 : i32
      %add3A_936 = arith.addi %mul3A_934, %add3A_935 : i32
      %mul3A_937 = arith.constant 16 : i32
      %mul3A_938 = arith.muli %add3A_936, %mul3A_937 : i32
      %swap3A_939 = arith.index_cast %mul3A_938 : i32 to index
      %swap3A_940 = tpu.vector_load %arg8[%swap3A_939] {strides = array<i32>} : memref<10240xf32, #tpu.memory_space<vmem>>, vector<16xf32>,
      tpu.vector_store %arg8[%swap3A_939], %broadcast_in_dim3A_846 {strides = array<i32>} : memref<10240xf32, #tpu.memory_space<vmem>>, vector<16xf32>,
      %scan3A_941 = arith.constant 0 : i32
      scf.yield %scan3A_941 : i32
    }
    %scan3A_852 = arith.constant 80 : i32
    %dma_wait3A_853 = tpu.memref_slice %arg3[%mul3A_0] : memref<320000xi32, #tpu.memory_space<hbm>> -> memref<20000xi32, #tpu.memory_space<hbm>>
    %dma_wait3A_854 = tpu.memref_slice %arg3[%mul3A_0] : memref<320000xi32, #tpu.memory_space<hbm>> -> memref<20000xi32, #tpu.memory_space<hbm>>
    tpu.wait_dma2 semaphore(%arg21 : memref<!tpu.dma_semaphore, #tpu.memory_space<semaphore_mem>>) src(%dma_wait3A_854 : memref<20000xi32, #tpu.memory_space<hbm>>) dst(%arg9 : memref<20000xi32, #tpu.memory_space<vmem>>)
    %dma_wait3A_855 = tpu.memref_slice %arg4[%mul3A_0] : memref<320000xi32, #tpu.memory_space<hbm>> -> memref<20000xi32, #tpu.memory_space<hbm>>
    %dma_wait3A_856 = tpu.memref_slice %arg4[%mul3A_0] : memref<320000xi32, #tpu.memory_space<hbm>> -> memref<20000xi32, #tpu.memory_space<hbm>>
    tpu.wait_dma2 semaphore(%arg21 : memref<!tpu.dma_semaphore, #tpu.memory_space<semaphore_mem>>) src(%dma_wait3A_856 : memref<20000xi32, #tpu.memory_space<hbm>>) dst(%arg10 : memref<20000xi32, #tpu.memory_space<vmem>>)
    %dma_wait3A_857 = tpu.memref_slice %arg5[%mul3A_0] : memref<320000xf32, #tpu.memory_space<hbm>> -> memref<20000xf32, #tpu.memory_space<hbm>>
    %dma_wait3A_858 = tpu.memref_slice %arg5[%mul3A_0] : memref<320000xf32, #tpu.memory_space<hbm>> -> memref<20000xf32, #tpu.memory_space<hbm>>
    tpu.wait_dma2 semaphore(%arg21 : memref<!tpu.dma_semaphore, #tpu.memory_space<semaphore_mem>>) src(%dma_wait3A_858 : memref<20000xf32, #tpu.memory_space<hbm>>) dst(%arg11 : memref<20000xf32, #tpu.memory_space<vmem>>)
    %parallel_loop3A = arith.constant 0 : i32
    %parallel_loop3A_859 = arith.constant 1250 : i32
    %parallel_loop3A_860 = arith.constant 1 : i32
    scf.for %parallel_loop3A_875 = %parallel_loop3A to %parallel_loop3A_859 step %parallel_loop3A_860  : i32 {
      %parallel_loop3A_876 = arith.constant 16 : i32
      %parallel_loop3A_877 = arith.muli %parallel_loop3A_875, %parallel_loop3A_876 : i32
      %parallel_loop3A_878 = arith.index_cast %parallel_loop3A_877 : i32 to index
      %parallel_loop3A_879 = tpu.vector_load %arg9[%parallel_loop3A_878] {strides = array<i32>} : memref<20000xi32, #tpu.memory_space<vmem>>, vector<16xi32>,
      %parallel_loop3A_880 = tpu.vector_load_idx %arg7[%parallel_loop3A_879] : memref<10240xf32, #tpu.memory_space<vmem>>[vector<16xi32>], vector<16xf32>,
      %parallel_loop3A_881 = arith.index_cast %parallel_loop3A_877 : i32 to index
      %parallel_loop3A_882 = tpu.vector_load %arg11[%parallel_loop3A_881] {strides = array<i32>} : memref<20000xf32, #tpu.memory_space<vmem>>, vector<16xf32>,
      %parallel_loop3A_883 = arith.mulf %parallel_loop3A_880, %parallel_loop3A_882 : vector<16xf32>
      %parallel_loop3A_884 = arith.index_cast %parallel_loop3A_877 : i32 to index
      %parallel_loop3A_885 = tpu.vector_load %arg10[%parallel_loop3A_884] {strides = array<i32>} : memref<20000xi32, #tpu.memory_space<vmem>>, vector<16xi32>,
      tpu.vector_store_idx %arg8[%parallel_loop3A_885], %parallel_loop3A_883 {add = true} : memref<10240xf32, #tpu.memory_space<vmem>>[vector<16xi32>], vector<16xf32>,
    } {sc.loop_unroll_factor = 8 : i64, sc.parallel_access}
    "tpu.region"() ({
      %run_scoped3A_875 = tpu.sem_alloc : memref<!tpu.dma_semaphore, #tpu.memory_space<semaphore_mem>>
      %dma_start3A_876 = arith.constant 0 : i32
      %dma_start3A_877 = tpu.memref_slice %arg19[%arg1, %dma_start3A_876] : memref<16x10240xf32, #tpu.memory_space<vmem_shared>> -> memref<1x10240xf32, #tpu.memory_space<vmem_shared>>
      %dma_start3A_878 = tpu.memref_squeeze %dma_start3A_877 : memref<1x10240xf32, #tpu.memory_space<vmem_shared>> -> memref<10240xf32, #tpu.memory_space<vmem_shared>>
      %dma_start3A_879 = arith.constant 0 : i32
      %dma_start3A_880 = tpu.memref_slice %arg19[%arg1, %dma_start3A_879] : memref<16x10240xf32, #tpu.memory_space<vmem_shared>> -> memref<1x10240xf32, #tpu.memory_space<vmem_shared>>
      %dma_start3A_881 = tpu.memref_squeeze %dma_start3A_880 : memref<1x10240xf32, #tpu.memory_space<vmem_shared>> -> memref<10240xf32, #tpu.memory_space<vmem_shared>>
      tpu.enqueue_dma source(%arg8 : memref<10240xf32, #tpu.memory_space<vmem>>) target(%dma_start3A_881 : memref<10240xf32, #tpu.memory_space<vmem_shared>>) target_semaphore(%run_scoped3A_875 : memref<!tpu.dma_semaphore, #tpu.memory_space<semaphore_mem>>)
      %dma_wait3A_882 = arith.constant 0 : i32
      %dma_wait3A_883 = tpu.memref_slice %arg19[%arg1, %dma_wait3A_882] : memref<16x10240xf32, #tpu.memory_space<vmem_shared>> -> memref<1x10240xf32, #tpu.memory_space<vmem_shared>>
      %dma_wait3A_884 = tpu.memref_squeeze %dma_wait3A_883 : memref<1x10240xf32, #tpu.memory_space<vmem_shared>> -> memref<10240xf32, #tpu.memory_space<vmem_shared>>
      %dma_wait3A_885 = arith.constant 0 : i32
      %dma_wait3A_886 = tpu.memref_slice %arg19[%arg1, %dma_wait3A_885] : memref<16x10240xf32, #tpu.memory_space<vmem_shared>> -> memref<1x10240xf32, #tpu.memory_space<vmem_shared>>
      %dma_wait3A_887 = tpu.memref_squeeze %dma_wait3A_886 : memref<1x10240xf32, #tpu.memory_space<vmem_shared>> -> memref<10240xf32, #tpu.memory_space<vmem_shared>>
      tpu.wait_dma2 semaphore(%run_scoped3A_875 : memref<!tpu.dma_semaphore, #tpu.memory_space<semaphore_mem>>) src(%arg8 : memref<10240xf32, #tpu.memory_space<vmem>>) dst(%dma_wait3A_887 : memref<10240xf32, #tpu.memory_space<vmem_shared>>)
      tpu.yield
    }) : () -> ()
    %barrier3A_861 = arith.constant 0 : index
    tpu.barrier barrier_id(%barrier3A_861)
    %mul3A_862 = arith.constant 640 : i32
    %mul3A_863 = arith.muli %arg1, %mul3A_862 : i32
    "tpu.region"() ({
      %run_scoped3A_875 = tpu.sem_alloc : memref<!tpu.dma_semaphore, #tpu.memory_space<semaphore_mem>>
      %dma_start3A_876 = arith.constant 0 : i32
      %dma_start3A_877 = tpu.memref_slice %arg19[%dma_start3A_876, %mul3A_863] : memref<16x10240xf32, #tpu.memory_space<vmem_shared>> -> memref<16x640xf32, #tpu.memory_space<vmem_shared>>
      %dma_start3A_878 = arith.constant 0 : i32
      %dma_start3A_879 = tpu.memref_slice %arg19[%dma_start3A_878, %mul3A_863] : memref<16x10240xf32, #tpu.memory_space<vmem_shared>> -> memref<16x640xf32, #tpu.memory_space<vmem_shared>>
      tpu.enqueue_dma source(%dma_start3A_879 : memref<16x640xf32, #tpu.memory_space<vmem_shared>>) target(%arg14 : memref<16x640xf32, #tpu.memory_space<vmem>>) target_semaphore(%run_scoped3A_875 : memref<!tpu.dma_semaphore, #tpu.memory_space<semaphore_mem>>)
      %dma_wait3A_880 = arith.constant 0 : i32
      %dma_wait3A_881 = tpu.memref_slice %arg19[%dma_wait3A_880, %mul3A_863] : memref<16x10240xf32, #tpu.memory_space<vmem_shared>> -> memref<16x640xf32, #tpu.memory_space<vmem_shared>>
      %dma_wait3A_882 = arith.constant 0 : i32
      %dma_wait3A_883 = tpu.memref_slice %arg19[%dma_wait3A_882, %mul3A_863] : memref<16x10240xf32, #tpu.memory_space<vmem_shared>> -> memref<16x640xf32, #tpu.memory_space<vmem_shared>>
      tpu.wait_dma2 semaphore(%run_scoped3A_875 : memref<!tpu.dma_semaphore, #tpu.memory_space<semaphore_mem>>) src(%dma_wait3A_883 : memref<16x640xf32, #tpu.memory_space<vmem_shared>>) dst(%arg14 : memref<16x640xf32, #tpu.memory_space<vmem>>)
      tpu.yield
    }) : () -> ()
    %scan3A_864 = arith.constant 0 : i32
    %scan3A_865 = arith.constant 40 : i32
    %scan3A_866 = arith.addi %scan3A_864, %scan3A_865 : i32
    %scan3A_867 = arith.constant 1 : i32
    %scan3A_868 = scf.for %scan3A_875 = %scan3A_864 to %scan3A_866 step %scan3A_867 iter_args(%scan3A_876 = %broadcast_in_dim3A_846) -> (vector<16xf32>)  : i32 {
      %mul3A_877 = arith.constant 16 : i32
      %mul3A_878 = arith.muli %scan3A_875, %mul3A_877 : i32
      %get3A = arith.constant 0 : i32
      %get3A_879 = arith.index_cast %get3A : i32 to index
      %get3A_880 = arith.index_cast %mul3A_878 : i32 to index
      %get3A_881 = tpu.vector_load %arg14[%get3A_879, %get3A_880] {strides = array<i32>} : memref<16x640xf32, #tpu.memory_space<vmem>>, vector<16xf32>,
      %get3A_882 = arith.constant 1 : i32
      %get3A_883 = arith.index_cast %get3A_882 : i32 to index
      %get3A_884 = arith.index_cast %mul3A_878 : i32 to index
      %get3A_885 = tpu.vector_load %arg14[%get3A_883, %get3A_884] {strides = array<i32>} : memref<16x640xf32, #tpu.memory_space<vmem>>, vector<16xf32>,
      %add3A_886 = arith.addf %get3A_881, %get3A_885 : vector<16xf32>
      %get3A_887 = arith.constant 2 : i32
      %get3A_888 = arith.index_cast %get3A_887 : i32 to index
      %get3A_889 = arith.index_cast %mul3A_878 : i32 to index
      %get3A_890 = tpu.vector_load %arg14[%get3A_888, %get3A_889] {strides = array<i32>} : memref<16x640xf32, #tpu.memory_space<vmem>>, vector<16xf32>,
      %add3A_891 = arith.addf %add3A_886, %get3A_890 : vector<16xf32>
      %get3A_892 = arith.constant 3 : i32
      %get3A_893 = arith.index_cast %get3A_892 : i32 to index
      %get3A_894 = arith.index_cast %mul3A_878 : i32 to index
      %get3A_895 = tpu.vector_load %arg14[%get3A_893, %get3A_894] {strides = array<i32>} : memref<16x640xf32, #tpu.memory_space<vmem>>, vector<16xf32>,
      %add3A_896 = arith.addf %add3A_891, %get3A_895 : vector<16xf32>
      %get3A_897 = arith.constant 4 : i32
      %get3A_898 = arith.index_cast %get3A_897 : i32 to index
      %get3A_899 = arith.index_cast %mul3A_878 : i32 to index
      %get3A_900 = tpu.vector_load %arg14[%get3A_898, %get3A_899] {strides = array<i32>} : memref<16x640xf32, #tpu.memory_space<vmem>>, vector<16xf32>,
      %add3A_901 = arith.addf %add3A_896, %get3A_900 : vector<16xf32>
      %get3A_902 = arith.constant 5 : i32
      %get3A_903 = arith.index_cast %get3A_902 : i32 to index
      %get3A_904 = arith.index_cast %mul3A_878 : i32 to index
      %get3A_905 = tpu.vector_load %arg14[%get3A_903, %get3A_904] {strides = array<i32>} : memref<16x640xf32, #tpu.memory_space<vmem>>, vector<16xf32>,
      %add3A_906 = arith.addf %add3A_901, %get3A_905 : vector<16xf32>
      %get3A_907 = arith.constant 6 : i32
      %get3A_908 = arith.index_cast %get3A_907 : i32 to index
      %get3A_909 = arith.index_cast %mul3A_878 : i32 to index
      %get3A_910 = tpu.vector_load %arg14[%get3A_908, %get3A_909] {strides = array<i32>} : memref<16x640xf32, #tpu.memory_space<vmem>>, vector<16xf32>,
      %add3A_911 = arith.addf %add3A_906, %get3A_910 : vector<16xf32>
      %get3A_912 = arith.constant 7 : i32
      %get3A_913 = arith.index_cast %get3A_912 : i32 to index
      %get3A_914 = arith.index_cast %mul3A_878 : i32 to index
      %get3A_915 = tpu.vector_load %arg14[%get3A_913, %get3A_914] {strides = array<i32>} : memref<16x640xf32, #tpu.memory_space<vmem>>, vector<16xf32>,
      %add3A_916 = arith.addf %add3A_911, %get3A_915 : vector<16xf32>
      %get3A_917 = arith.constant 8 : i32
      %get3A_918 = arith.index_cast %get3A_917 : i32 to index
      %get3A_919 = arith.index_cast %mul3A_878 : i32 to index
      %get3A_920 = tpu.vector_load %arg14[%get3A_918, %get3A_919] {strides = array<i32>} : memref<16x640xf32, #tpu.memory_space<vmem>>, vector<16xf32>,
      %add3A_921 = arith.addf %add3A_916, %get3A_920 : vector<16xf32>
      %get3A_922 = arith.constant 9 : i32
      %get3A_923 = arith.index_cast %get3A_922 : i32 to index
      %get3A_924 = arith.index_cast %mul3A_878 : i32 to index
      %get3A_925 = tpu.vector_load %arg14[%get3A_923, %get3A_924] {strides = array<i32>} : memref<16x640xf32, #tpu.memory_space<vmem>>, vector<16xf32>,
      %add3A_926 = arith.addf %add3A_921, %get3A_925 : vector<16xf32>
      %get3A_927 = arith.constant 10 : i32
      %get3A_928 = arith.index_cast %get3A_927 : i32 to index
      %get3A_929 = arith.index_cast %mul3A_878 : i32 to index
      %get3A_930 = tpu.vector_load %arg14[%get3A_928, %get3A_929] {strides = array<i32>} : memref<16x640xf32, #tpu.memory_space<vmem>>, vector<16xf32>,
      %add3A_931 = arith.addf %add3A_926, %get3A_930 : vector<16xf32>
      %get3A_932 = arith.constant 11 : i32
      %get3A_933 = arith.index_cast %get3A_932 : i32 to index
      %get3A_934 = arith.index_cast %mul3A_878 : i32 to index
      %get3A_935 = tpu.vector_load %arg14[%get3A_933, %get3A_934] {strides = array<i32>} : memref<16x640xf32, #tpu.memory_space<vmem>>, vector<16xf32>,
      %add3A_936 = arith.addf %add3A_931, %get3A_935 : vector<16xf32>
      %get3A_937 = arith.constant 12 : i32
      %get3A_938 = arith.index_cast %get3A_937 : i32 to index
      %get3A_939 = arith.index_cast %mul3A_878 : i32 to index
      %get3A_940 = tpu.vector_load %arg14[%get3A_938, %get3A_939] {strides = array<i32>} : memref<16x640xf32, #tpu.memory_space<vmem>>, vector<16xf32>,
      %add3A_941 = arith.addf %add3A_936, %get3A_940 : vector<16xf32>
      %get3A_942 = arith.constant 13 : i32
      %get3A_943 = arith.index_cast %get3A_942 : i32 to index
      %get3A_944 = arith.index_cast %mul3A_878 : i32 to index
      %get3A_945 = tpu.vector_load %arg14[%get3A_943, %get3A_944] {strides = array<i32>} : memref<16x640xf32, #tpu.memory_space<vmem>>, vector<16xf32>,
      %add3A_946 = arith.addf %add3A_941, %get3A_945 : vector<16xf32>
      %get3A_947 = arith.constant 14 : i32
      %get3A_948 = arith.index_cast %get3A_947 : i32 to index
      %get3A_949 = arith.index_cast %mul3A_878 : i32 to index
      %get3A_950 = tpu.vector_load %arg14[%get3A_948, %get3A_949] {strides = array<i32>} : memref<16x640xf32, #tpu.memory_space<vmem>>, vector<16xf32>,
      %add3A_951 = arith.addf %add3A_946, %get3A_950 : vector<16xf32>
      %get3A_952 = arith.constant 15 : i32
      %get3A_953 = arith.index_cast %get3A_952 : i32 to index
      %get3A_954 = arith.index_cast %mul3A_878 : i32 to index
      %get3A_955 = tpu.vector_load %arg14[%get3A_953, %get3A_954] {strides = array<i32>} : memref<16x640xf32, #tpu.memory_space<vmem>>, vector<16xf32>,
      %add3A_956 = arith.addf %add3A_951, %get3A_955 : vector<16xf32>
      %max3A = arith.constant 0.000000e+00 : f32
      %max3A_957 = vector.broadcast %max3A : f32 to vector<16xf32>
      %max3A_958 = arith.maximumf %add3A_956, %max3A_957 : vector<16xf32>
      %add3A_959 = arith.addf %scan3A_876, %max3A_958 : vector<16xf32>
      scf.yield %add3A_959 : vector<16xf32>
    }
    %scan3A_869 = arith.constant 40 : i32
    %swap3A_870 = arith.constant 0 : index
    %swap3A_871 = tpu.vector_load %arg15[%swap3A_870] {strides = array<i32>} : memref<16xf32, #tpu.memory_space<vmem>>, vector<16xf32>,
    tpu.vector_store %arg15[%swap3A_870], %scan3A_868 {strides = array<i32>} : memref<16xf32, #tpu.memory_space<vmem>>, vector<16xf32>,
    "tpu.region"() ({
      %run_scoped3A_875 = tpu.sem_alloc : memref<!tpu.dma_semaphore, #tpu.memory_space<semaphore_mem>>
      %dma_start3A_876 = arith.constant 0 : i32
      %dma_start3A_877 = tpu.memref_slice %arg20[%arg1, %dma_start3A_876] : memref<16x16xf32, #tpu.memory_space<vmem_shared>> -> memref<1x16xf32, #tpu.memory_space<vmem_shared>>
      %dma_start3A_878 = tpu.memref_squeeze %dma_start3A_877 : memref<1x16xf32, #tpu.memory_space<vmem_shared>> -> memref<16xf32, #tpu.memory_space<vmem_shared>>
      %dma_start3A_879 = arith.constant 0 : i32
      %dma_start3A_880 = tpu.memref_slice %arg20[%arg1, %dma_start3A_879] : memref<16x16xf32, #tpu.memory_space<vmem_shared>> -> memref<1x16xf32, #tpu.memory_space<vmem_shared>>
      %dma_start3A_881 = tpu.memref_squeeze %dma_start3A_880 : memref<1x16xf32, #tpu.memory_space<vmem_shared>> -> memref<16xf32, #tpu.memory_space<vmem_shared>>
      tpu.enqueue_dma source(%arg15 : memref<16xf32, #tpu.memory_space<vmem>>) target(%dma_start3A_881 : memref<16xf32, #tpu.memory_space<vmem_shared>>) target_semaphore(%run_scoped3A_875 : memref<!tpu.dma_semaphore, #tpu.memory_space<semaphore_mem>>)
      %dma_wait3A_882 = arith.constant 0 : i32
      %dma_wait3A_883 = tpu.memref_slice %arg20[%arg1, %dma_wait3A_882] : memref<16x16xf32, #tpu.memory_space<vmem_shared>> -> memref<1x16xf32, #tpu.memory_space<vmem_shared>>
      %dma_wait3A_884 = tpu.memref_squeeze %dma_wait3A_883 : memref<1x16xf32, #tpu.memory_space<vmem_shared>> -> memref<16xf32, #tpu.memory_space<vmem_shared>>
      %dma_wait3A_885 = arith.constant 0 : i32
      %dma_wait3A_886 = tpu.memref_slice %arg20[%arg1, %dma_wait3A_885] : memref<16x16xf32, #tpu.memory_space<vmem_shared>> -> memref<1x16xf32, #tpu.memory_space<vmem_shared>>
      %dma_wait3A_887 = tpu.memref_squeeze %dma_wait3A_886 : memref<1x16xf32, #tpu.memory_space<vmem_shared>> -> memref<16xf32, #tpu.memory_space<vmem_shared>>
      tpu.wait_dma2 semaphore(%run_scoped3A_875 : memref<!tpu.dma_semaphore, #tpu.memory_space<semaphore_mem>>) src(%arg15 : memref<16xf32, #tpu.memory_space<vmem>>) dst(%dma_wait3A_887 : memref<16xf32, #tpu.memory_space<vmem_shared>>)
      tpu.yield
    }) : () -> ()
    %barrier3A_872 = arith.constant 0 : index
    tpu.barrier barrier_id(%barrier3A_872)
    %eq3A = arith.constant 0 : i32
    %eq3A_873 = arith.cmpi eq, %arg1, %eq3A : i32
    %convert_element_type3A = arith.extui %eq3A_873 : i1 to i32
    %cond3A = arith.constant 0 : i32
    %cond3A_874 = arith.cmpi ne, %convert_element_type3A, %cond3A : i32
    scf.if %cond3A_874 {
      "tpu.region"() ({
        %run_scoped3A_966 = tpu.sem_alloc : memref<!tpu.dma_semaphore, #tpu.memory_space<semaphore_mem>>
        tpu.enqueue_dma source(%arg20 : memref<16x16xf32, #tpu.memory_space<vmem_shared>>) target(%arg16 : memref<16x16xf32, #tpu.memory_space<vmem>>) target_semaphore(%run_scoped3A_966 : memref<!tpu.dma_semaphore, #tpu.memory_space<semaphore_mem>>)
        tpu.wait_dma2 semaphore(%run_scoped3A_966 : memref<!tpu.dma_semaphore, #tpu.memory_space<semaphore_mem>>) src(%arg20 : memref<16x16xf32, #tpu.memory_space<vmem_shared>>) dst(%arg16 : memref<16x16xf32, #tpu.memory_space<vmem>>)
        tpu.yield
      }) : () -> ()
      %get3A = arith.constant 0 : i32
      %get3A_875 = arith.index_cast %get3A : i32 to index
      %get3A_876 = arith.constant 0 : index
      %get3A_877 = tpu.vector_load %arg16[%get3A_875, %get3A_876] {strides = array<i32>} : memref<16x16xf32, #tpu.memory_space<vmem>>, vector<16xf32>,
      %get3A_878 = arith.constant 1 : i32
      %get3A_879 = arith.index_cast %get3A_878 : i32 to index
      %get3A_880 = arith.constant 0 : index
      %get3A_881 = tpu.vector_load %arg16[%get3A_879, %get3A_880] {strides = array<i32>} : memref<16x16xf32, #tpu.memory_space<vmem>>, vector<16xf32>,
      %add3A_882 = arith.addf %get3A_877, %get3A_881 : vector<16xf32>
      %get3A_883 = arith.constant 2 : i32
      %get3A_884 = arith.index_cast %get3A_883 : i32 to index
      %get3A_885 = arith.constant 0 : index
      %get3A_886 = tpu.vector_load %arg16[%get3A_884, %get3A_885] {strides = array<i32>} : memref<16x16xf32, #tpu.memory_space<vmem>>, vector<16xf32>,
      %add3A_887 = arith.addf %add3A_882, %get3A_886 : vector<16xf32>
      %get3A_888 = arith.constant 3 : i32
      %get3A_889 = arith.index_cast %get3A_888 : i32 to index
      %get3A_890 = arith.constant 0 : index
      %get3A_891 = tpu.vector_load %arg16[%get3A_889, %get3A_890] {strides = array<i32>} : memref<16x16xf32, #tpu.memory_space<vmem>>, vector<16xf32>,
      %add3A_892 = arith.addf %add3A_887, %get3A_891 : vector<16xf32>
      %get3A_893 = arith.constant 4 : i32
      %get3A_894 = arith.index_cast %get3A_893 : i32 to index
      %get3A_895 = arith.constant 0 : index
      %get3A_896 = tpu.vector_load %arg16[%get3A_894, %get3A_895] {strides = array<i32>} : memref<16x16xf32, #tpu.memory_space<vmem>>, vector<16xf32>,
      %add3A_897 = arith.addf %add3A_892, %get3A_896 : vector<16xf32>
      %get3A_898 = arith.constant 5 : i32
      %get3A_899 = arith.index_cast %get3A_898 : i32 to index
      %get3A_900 = arith.constant 0 : index
      %get3A_901 = tpu.vector_load %arg16[%get3A_899, %get3A_900] {strides = array<i32>} : memref<16x16xf32, #tpu.memory_space<vmem>>, vector<16xf32>,
      %add3A_902 = arith.addf %add3A_897, %get3A_901 : vector<16xf32>
      %get3A_903 = arith.constant 6 : i32
      %get3A_904 = arith.index_cast %get3A_903 : i32 to index
      %get3A_905 = arith.constant 0 : index
      %get3A_906 = tpu.vector_load %arg16[%get3A_904, %get3A_905] {strides = array<i32>} : memref<16x16xf32, #tpu.memory_space<vmem>>, vector<16xf32>,
      %add3A_907 = arith.addf %add3A_902, %get3A_906 : vector<16xf32>
      %get3A_908 = arith.constant 7 : i32
      %get3A_909 = arith.index_cast %get3A_908 : i32 to index
      %get3A_910 = arith.constant 0 : index
      %get3A_911 = tpu.vector_load %arg16[%get3A_909, %get3A_910] {strides = array<i32>} : memref<16x16xf32, #tpu.memory_space<vmem>>, vector<16xf32>,
      %add3A_912 = arith.addf %add3A_907, %get3A_911 : vector<16xf32>
      %get3A_913 = arith.constant 8 : i32
      %get3A_914 = arith.index_cast %get3A_913 : i32 to index
      %get3A_915 = arith.constant 0 : index
      %get3A_916 = tpu.vector_load %arg16[%get3A_914, %get3A_915] {strides = array<i32>} : memref<16x16xf32, #tpu.memory_space<vmem>>, vector<16xf32>,
      %add3A_917 = arith.addf %add3A_912, %get3A_916 : vector<16xf32>
      %get3A_918 = arith.constant 9 : i32
      %get3A_919 = arith.index_cast %get3A_918 : i32 to index
      %get3A_920 = arith.constant 0 : index
      %get3A_921 = tpu.vector_load %arg16[%get3A_919, %get3A_920] {strides = array<i32>} : memref<16x16xf32, #tpu.memory_space<vmem>>, vector<16xf32>,
      %add3A_922 = arith.addf %add3A_917, %get3A_921 : vector<16xf32>
      %get3A_923 = arith.constant 10 : i32
      %get3A_924 = arith.index_cast %get3A_923 : i32 to index
      %get3A_925 = arith.constant 0 : index
      %get3A_926 = tpu.vector_load %arg16[%get3A_924, %get3A_925] {strides = array<i32>} : memref<16x16xf32, #tpu.memory_space<vmem>>, vector<16xf32>,
      %add3A_927 = arith.addf %add3A_922, %get3A_926 : vector<16xf32>
      %get3A_928 = arith.constant 11 : i32
      %get3A_929 = arith.index_cast %get3A_928 : i32 to index
      %get3A_930 = arith.constant 0 : index
      %get3A_931 = tpu.vector_load %arg16[%get3A_929, %get3A_930] {strides = array<i32>} : memref<16x16xf32, #tpu.memory_space<vmem>>, vector<16xf32>,
      %add3A_932 = arith.addf %add3A_927, %get3A_931 : vector<16xf32>
      %get3A_933 = arith.constant 12 : i32
      %get3A_934 = arith.index_cast %get3A_933 : i32 to index
      %get3A_935 = arith.constant 0 : index
      %get3A_936 = tpu.vector_load %arg16[%get3A_934, %get3A_935] {strides = array<i32>} : memref<16x16xf32, #tpu.memory_space<vmem>>, vector<16xf32>,
      %add3A_937 = arith.addf %add3A_932, %get3A_936 : vector<16xf32>
      %get3A_938 = arith.constant 13 : i32
      %get3A_939 = arith.index_cast %get3A_938 : i32 to index
      %get3A_940 = arith.constant 0 : index
      %get3A_941 = tpu.vector_load %arg16[%get3A_939, %get3A_940] {strides = array<i32>} : memref<16x16xf32, #tpu.memory_space<vmem>>, vector<16xf32>,
      %add3A_942 = arith.addf %add3A_937, %get3A_941 : vector<16xf32>
      %get3A_943 = arith.constant 14 : i32
      %get3A_944 = arith.index_cast %get3A_943 : i32 to index
      %get3A_945 = arith.constant 0 : index
      %get3A_946 = tpu.vector_load %arg16[%get3A_944, %get3A_945] {strides = array<i32>} : memref<16x16xf32, #tpu.memory_space<vmem>>, vector<16xf32>,
      %add3A_947 = arith.addf %add3A_942, %get3A_946 : vector<16xf32>
      %get3A_948 = arith.constant 15 : i32
      %get3A_949 = arith.index_cast %get3A_948 : i32 to index
      %get3A_950 = arith.constant 0 : index
      %get3A_951 = tpu.vector_load %arg16[%get3A_949, %get3A_950] {strides = array<i32>} : memref<16x16xf32, #tpu.memory_space<vmem>>, vector<16xf32>,
      %add3A_952 = arith.addf %add3A_947, %get3A_951 : vector<16xf32>
      %reduce_sum3A = arith.constant true
      %reduce_sum3A_953 = vector.broadcast %reduce_sum3A : i1 to vector<16xi1>
      %reduce_sum3A_954 = tpu.scan <sum>, %add3A_952 masked %reduce_sum3A_953 : vector<16xf32>, vector<16xi1> -> vector<16xf32>
      %reduce_sum3A_955 = vector.extract %reduce_sum3A_954[15] : f32 from vector<16xf32>
      %broadcast_in_dim3A_956 = vector.broadcast %reduce_sum3A_955 : f32 to vector<16xf32>
      %neg3A = arith.constant 0.000000e+00 : f32
      %neg3A_957 = vector.broadcast %neg3A : f32 to vector<16xf32>
      %neg3A_958 = arith.subf %neg3A_957, %broadcast_in_dim3A_956 : vector<16xf32>
      %exp3A = math.exp %neg3A_958 : vector<16xf32>
      %add3A_959 = arith.constant 1.000000e+00 : f32
      %add3A_960 = vector.broadcast %add3A_959 : f32 to vector<16xf32>
      %add3A_961 = arith.addf %add3A_960, %exp3A : vector<16xf32>
      %div3A = arith.constant 1.000000e+00 : f32
      %div3A_962 = vector.broadcast %div3A : f32 to vector<16xf32>
      %div3A_963 = arith.divf %div3A_962, %add3A_961 : vector<16xf32>
      %swap3A_964 = arith.constant 0 : index
      %swap3A_965 = tpu.vector_load %arg17[%swap3A_964] {strides = array<i32>} : memref<16xf32, #tpu.memory_space<vmem>>, vector<16xf32>,
      tpu.vector_store %arg17[%swap3A_964], %div3A_963 {strides = array<i32>} : memref<16xf32, #tpu.memory_space<vmem>>, vector<16xf32>,
      "tpu.region"() ({
        %run_scoped3A_966 = tpu.sem_alloc : memref<!tpu.dma_semaphore, #tpu.memory_space<semaphore_mem>>
        tpu.enqueue_dma source(%arg17 : memref<16xf32, #tpu.memory_space<vmem>>) target(%arg6 : memref<16xf32, #tpu.memory_space<hbm>>) target_semaphore(%run_scoped3A_966 : memref<!tpu.dma_semaphore, #tpu.memory_space<semaphore_mem>>)
        tpu.wait_dma2 semaphore(%run_scoped3A_966 : memref<!tpu.dma_semaphore, #tpu.memory_space<semaphore_mem>>) src(%arg17 : memref<16xf32, #tpu.memory_space<vmem>>) dst(%arg6 : memref<16xf32, #tpu.memory_space<hbm>>)
        tpu.yield
      }) : () -> ()
    } else {
    }
    return
  }
}

</mosaic_0001>

<sc_bundles>
// kernel: kernel.3.cloned.1.call-start
scs
__scs_entry_jumppad:
0x0: {  	(pc) =	sbr.rel $0x88, $3  }
0x1: {  	(tag) =	ssettag $0x0;
	lr =	simm.s32 $0x1  }
0x2: {  	[smem:$0x3F9E] =	sst lr;
	_ =	strace $0xD0000000  }
0x3: {  	_ = 	snop  }
0x4: {  	_ = 	snop  }
0x5: {  	_ = 	snop  }
0x6: {  	_ = 	snop  }
0x7: {  	_ = 	snop  }
__scs_overlays_trampoline_lowered:
0x8: {  	[smem:$0x3FAD] =	sst s0  }
0x9: {  	[smem:$0x3FAE] =	sst s1  }
0xa: {  	[smem:$0x3FAF] =	sst s2  }
0xb: {  	[smem:$0x3FB0] =	sst s3  }
0xc: {  	[smem:$0x3FB1] =	sst s4  }
0xd: {  	[smem:$0x3FB2] =	sst s5  }
0xe: {  	[smem:$0x3FB3] =	sst s6  }
0xf: {  	[smem:$0x3FB4] =	sst s7  }
0x10: {  	[smem:$0x3FB5] =	sst s8  }
0x11: {  	[smem:$0x3FB6] =	sst s9;
	s0 =	simm.s32 @!p0 $0x0  }
0x12: {  	s1 =	sld [smem:$0x3F9C];
	s0 =	simm.s32 @p0 $0x1  }
0x13: {  	[smem:$0x3FB7] =	sst s0;
	s0 =	simm.s32 @!p1 $0x0  }
0x14: {  	s2 =	sld [smem:$0x3F9B];
	s0 =	simm.s32 @p1 $0x1  }
0x15: {  	[smem:$0x3FB8] =	sst s0;
	s0 =	simm.s32 @!p2 $0x0  }
0x16: {  	s3 =	sld [smem:$0x3FDB];
	s0 =	simm.s32 @p2 $0x1  }
0x17: {  	s4 =	simm.s32 $0x1BF5;
	[smem:$0x3FBA] =	sst s0  }
0x18: {  	s0 =	sld [smem:$0x3F9D];
	_ =	swait.ge [sflag:s4], $0x0  }
0x19: {  	s7 =	sld [smem:$0x3F9E]  }
0x1a: {  	s8 =	sadd.s32 $0xFFFFE003, lr  }
0x1b: {  	s9 =	sadd.s32 $0xFFFFFEF7, lr;
	s5 =	simm.s32 $0xFFFFFFFF;
	p2 =	slt.u32 s8, $0xFFFFF086  }
0x1c: {  	p1 =	slt.u32 s9, $0xF7A;
	s5 =	simm.s32 @!p2 $0x0  }
0x1d: {  	s5 =	simm.s32 @p1 $0x1;
	p0 =	seq.s32 s7, s2  }
0x1e: {  	s7 =	smul.u32 @!p0 $0xF7A, s2;
	p2 =	seq.s32 @!p0 s5, $0x0  }
0x1f: {  	s9 =	smul.u32 $0xF7A, s1;
	s8 =	simm.s32 @!p0 $0x1BF5;
	p2 =	por !p2, p0  }
0x20: {  	[sflag:s8] =	ssyncset.s32 @!p0 $0xFFFFF086;
	s6 =	sadd.s32 @!p0 s3, s7;
	s7 =	simm.s32 @!p0 $0x108  }
0x21: {  	s3 =	sadd.s32 s3, s9;
	s6 =	sadd.s32 @!p0 $0x88, s6;
	s7 =	simm.s32 @p2 $0x1082  }
0x22: {  	[simem:s7], [sflag:s8] =	dma.local @!p0 [hbm:s6], $0xF7A  }
0x23: {  	s9 =	sor.u32 $0xD0000000, s2;
	s6 =	simm.s32 $0x108;
	_ =	swait.ge @!p0 [sflag:s8], $0x0  }
0x24: {  	s3 =	sadd.s32 $0x88, s3;
	s6 =	simm.s32 @!p1 $0x1082;
	[sflag:s4] =	ssyncset.s32 $0xFFFFF086  }
0x25: {  	[simem:s6], [sflag:s4] =	dma.local [hbm:s3], $0xF7A  }
0x26: {  	[smem:$0x3F9E] =	sst s1;
	(tag) =	ssettag s2;
	_ =	strace s9  }
0x27: {  	s1 =	sld [smem:$0x3FAE]  }
0x28: {  	s2 =	sld [smem:$0x3FAF]  }
0x29: {  	s4 =	sld [smem:$0x3FB1]  }
0x2a: {  	p0 =	seq.s32 s5, $0x0;
	s5 =	sld [smem:$0x3FB2]  }
0x2b: {  	s6 =	sld [smem:$0x3FB3]  }
0x2c: {  	s7 =	sld [smem:$0x3FB4]  }
0x2d: {  	s3 =	simm.s32 $0x108;
	s8 =	sld [smem:$0x3FB5]  }
0x2e: {  	s3 =	simm.s32 @!p0 $0x1082;
	s9 =	sld [smem:$0x3FB6]  }
0x2f: {  	lr =	sadd.s32 s0, s3;
	s0 =	sld [smem:$0x3FAD]  }
0x30: {  	s3 =	sld [smem:$0x3FB0]  }
0x31: {  	[smem:$0x3FB9] =	sst s10  }
0x32: {  	s10 =	sld [smem:$0x3FB7];
	_ =	sdelay $0x3  }
0x33: {  	p0 =	seq.s32 s10, $0x1;
	s10 =	sld [smem:$0x3FB9];
	_ =	sdelay $0x3  }
0x34: {  	[smem:$0x3FB9] =	sst s10  }
0x35: {  	s10 =	sld [smem:$0x3FB8];
	_ =	sdelay $0x3  }
0x36: {  	p1 =	seq.s32 s10, $0x1;
	s10 =	sld [smem:$0x3FB9];
	_ =	sdelay $0x3  }
0x37: {  	[smem:$0x3FB9] =	sst s10  }
0x38: {  	s10 =	sld [smem:$0x3FBA]  }
0x39: {  	_ = 	snop;
	(pc) =	sbr.ind lr, $3  }
0x3a: {  	_ = 	snop  }
0x3b: {  	_ = 	snop  }
0x3c: {  	p2 =	seq.s32 s10, $0x1;
	s10 =	sld [smem:$0x3FB9]  }
0x3d: {  	_ =	shalt  }
0x3e: {  	_ =	shalt  }
0x3f: {  	_ =	shalt  }
0x40: {  	_ =	shalt  }
0x41: {  	_ =	shalt  }
0x42: {  	_ =	shalt  }
0x43: {  	_ =	shalt  }
0x44: {  	_ =	shalt  }
0x45: {  	_ =	shalt  }
0x46: {  	_ =	shalt  }
0x47: {  	_ =	shalt  }
0x48: {  	_ =	shalt  }
0x49: {  	_ =	shalt  }
0x4a: {  	_ =	shalt  }
0x4b: {  	_ =	shalt  }
0x4c: {  	_ =	shalt  }
0x4d: {  	_ =	shalt  }
0x4e: {  	_ =	shalt  }
0x4f: {  	_ =	shalt  }
0x50: {  	_ =	shalt  }
0x51: {  	_ =	shalt  }
0x52: {  	_ =	shalt  }
0x53: {  	_ =	shalt  }
0x54: {  	_ =	shalt  }
0x55: {  	_ =	shalt  }
0x56: {  	_ =	shalt  }
0x57: {  	_ =	shalt  }
0x58: {  	_ =	shalt  }
0x59: {  	_ =	shalt  }
0x5a: {  	_ =	shalt  }
0x5b: {  	_ =	shalt  }
0x5c: {  	_ =	shalt  }
0x5d: {  	_ =	shalt  }
0x5e: {  	_ =	shalt  }
0x5f: {  	_ =	shalt  }
0x60: {  	_ =	shalt  }
0x61: {  	_ =	shalt  }
0x62: {  	_ =	shalt  }
0x63: {  	_ =	shalt  }
0x64: {  	_ =	shalt  }
0x65: {  	_ =	shalt  }
0x66: {  	_ =	shalt  }
0x67: {  	_ =	shalt  }
0x68: {  	_ =	shalt  }
0x69: {  	_ =	shalt  }
0x6a: {  	_ =	shalt  }
0x6b: {  	_ =	shalt  }
0x6c: {  	_ =	shalt  }
0x6d: {  	_ =	shalt  }
0x6e: {  	_ =	shalt  }
0x6f: {  	_ =	shalt  }
0x70: {  	_ =	shalt  }
0x71: {  	_ =	shalt  }
0x72: {  	_ =	shalt  }
0x73: {  	_ =	shalt  }
0x74: {  	_ =	shalt  }
0x75: {  	_ =	shalt  }
0x76: {  	_ =	shalt  }
0x77: {  	_ =	shalt  }
0x78: {  	_ =	shalt  }
0x79: {  	_ =	shalt  }
0x7a: {  	_ =	shalt  }
0x7b: {  	_ =	shalt  }
0x7c: {  	_ =	shalt  }
0x7d: {  	_ =	shalt  }
0x7e: {  	_ =	shalt  }
0x7f: {  	_ =	shalt  }
0x80: {  	_ =	shalt  }
0x81: {  	_ =	shalt  }
0x82: {  	_ =	shalt  }
0x83: {  	_ =	shalt  }
0x84: {  	_ =	shalt  }
0x85: {  	_ =	shalt  }
0x86: {  	_ =	shalt  }
0x87: {  	_ =	shalt  }
.Lfunc_end0:
.L_simem_size_0:
called_computation_lowered:
.L_overlay_start_0:
0x88: {  	s0 =	sld [smem:$0x3FD9]  }
0x89: {  	s1 =	sld [smem:$0x3FFE];
	_ =	sdelay $0x3  }
0x8a: {  	s0 =	sadd.s32 s1, s0  }
0x8b: {  	[smem:$0x3FC5] =	sst s0  }
0x8c: {  	_ = 	snop  }
0x8d: {  	s0 =	sld [smem:$0x3FC9]  }
0x8e: {  	s16 =	sld [smem:$0x3FD0];
	(tm) =	ssettm $0x1  }
0x8f: {  	s2 =	sld [smem:$0x3FFB];
	_ =	sdelay $0x3  }
0x90: {  	_ =	strace s2  }
0x91: {  	s2 =	sld [smem:$0x3FFC];
	_ =	sdelay $0x3  }
0x92: {  	_ =	strace s2  }
0x93: {  	s2 =	sld [smem:$0x3FFD];
	_ =	sdelay $0x3  }
0x94: {  	_ =	strace s2  }
0x95: {  	_ =	strace $0x8FFFFFFF  }
0x96: {  	s17 =	sld [smem:$0x3FDB];
	_ =	sdelay $0x1  }
0x97: {  	s3 =	simm.s32 $_scs_section_size  }
0x98: {  	s4 =	simm.s32 $_size__tile_overlayer_lowered;
	s5 =	simm.s32 $_tile_overlayer_lowered  }
0x99: {  	s20 =	simm.s32 $0x1BFF;
	s19 =	sshll.u32 s5, $0x1;
	s2 =	sadd.s32 s3, s17  }
0x9a: {  	s6 =	simm.s32 $0x0;
	s18 =	sshll.u32 s4, $0x1;
	s4 =	sadd.s32 s19, s2  }
0x9b: {  	[timem:s6], [sflag:s20] =	dma.local [hbm:s4], s18  }
0x9c: {  	_ =	swait.ge [sflag:s20], s18  }
0x9d: {  	s3 =	ssub.s32 $0x0, s18;
	[sflag:s20] =	ssyncset.done $0x0  }
0x9e: {  	[sflag:s20] =	ssyncadd.s32 s3;
	_ =	sdelay $0x1  }
0x9f: {  	s21 =	simm.s32 $0x1B8B  }
0xa0: {  	_ =	swait.ge [sflag:s21], $0x1  }
0xa1: {  	[sflag:s21] =	ssyncset.done $0x0  }
0xa2: {  	s23 =	simm.s32 $0x1B8E;
	s22 =	sld [smem:$0x3FFE];
	[sflag:s21] =	ssyncadd.s32 $0xFFFFFFFF  }
0xa3: {  	s24 =	simm.s32 $execute0_lowered;
	[smem:$0x3FD2] =	sst s23  }
0xa4: {  	s4 =	sshll.u32 s24, $0x1;
	_ =	strace $0x80000046;
	[dreg:$0x1] =	wrdreg $0xFFFFFFFF  }
0xa5: {  	s25 =	simm.s32 $_size_execute0_lowered;
	s2 =	sadd.s32 s2, s4;
	[dreg:$0x0] =	wrdreg $0x0  }
0xa6: {  	s4 =	sshll.u32 s25, $0x1;
	[dreg:$0x2] =	wrdreg s2  }
0xa7: {  	[dreg:$0x3] =	wrdreg s4  }
0xa8: {  	[dreg:$0x4] =	wrdreg $0xC0  }
0xa9: {  	_ =	task [dreg:s6], $0x5FFFF  }
0xaa: {  	[dreg:$0x1] =	wrdreg $0xFFFFFFFF  }
0xab: {  	[dreg:$0x0] =	wrdreg $0x60  }
0xac: {  	[dreg:$0x2] =	wrdreg s0  }
0xad: {  	[dreg:$0x3] =	wrdreg s22  }
0xae: {  	[dreg:$0x4] =	wrdreg s16  }
0xaf: {  	[dreg:$0x5] =	wrdreg $0x19F000  }
0xb0: {  	[dreg:$0x6] =	wrdreg $0x174800  }
0xb1: {  	[dreg:$0x7] =	wrdreg $0x177000  }
0xb2: {  	[dreg:$0x8] =	wrdreg $0x9  }
0xb3: {  	_ =	task.clear_ibuf [dreg:s6], $0x9FFFF;
	_ =	strace $0x90000046  }
0xb4: {  	s26 =	simm.s32 $0x9;
	_ =	strace $0x80000048  }
0xb5: {  	_ =	swait.ge [sflag:s26], $0x1  }
0xb6: {  	[sflag:s26] =	ssyncadd.s32 $0xFFFFFFFF  }
0xb7: {  	_ =	strace $0x90000048  }
0xb8: {  	_ =	sfence  }
0xb9: {  	s28 =	sld [smem:$0x0];
	_ =	sdelay $0x1  }
0xba: {  	s29 =	srdreg.scid  }
0xbb: {  	s30 =	sshll.u32 s29, $0xD;
	s31 =	sshrl.u32 s29, $0x2  }
0xbc: {  	s1 =	sand.u32 $0x1, s29;
	s2 =	sand.u32 $0x4000, s30;
	s0 =	sadd.s32 s31, s28  }
0xbd: {  	s1 =	sor.u32 s2, s1;
	s0 =	sshll.u32 s0, $0x11  }
0xbe: {  	s0 =	sor.u32 s0, s1  }
0xbf: {  	s0 =	sadd.s32 $0x8F2B, s0  }
0xc0: {  	[sflag:s0] =	ssyncadd.remote.s32 $0x1  }
0xc1: {  	_ =	sfence.sel $0xFFFF  }
0xc2: {  	[dreg:$0x0] =	wrdreg $0xFFFFFFFF;
	(pc) =	sbr.abs _section_cstart, $3  }
0xc3: {  	[dreg:$0x1] =	wrdreg $0xFFFFFFFF  }
0xc4: {  	_ =	task.clear_ibuf [dreg:s6], $0x2FFFF;
	_ =	strace $0x9FFFFFFF  }
0xc5: {  	(tm) =	ssettm $0x7FFFFFFF  }
tec
execute0_lowered:
.L_overlay_start_1:
0x0: {  	(tag) =	ssettag $0x1  }
0x1: {  	s8 =	rddreg [dreg:$0x0]  }
0x2: {  	s7 =	rddreg [dreg:$0x1]  }
0x3: {  	s1 =	rddreg [dreg:$0x2]  }
0x4: {  	s2 =	rddreg [dreg:$0x3]  }
0x5: {  	s5 =	rddreg [dreg:$0x4]  }
0x6: {  	s4 =	rddreg [dreg:$0x5];
	s3 =	stileid.u32  }
0x7: {  	s0 =	rddreg [dreg:$0x6];
	s6 =	simm.s32 $0x0;
	s9 =	smul.u32 $0x9C4, s3  }
0x8: {  	s11 =	simm.s32 $0x5000;
	s12 =	simm.s32 $0x9E80;
	[smem:$0x7FF] =	sst s6  }
0x9: {  	s24 =	simm.s32 $0xED00;
	_ =	strace $0x80000047;
	s9 =	sadd.s32 s7, s9  }
0xa: {  	s7 =	smul.u32 $0x280, s3;
	s10 =	sadd.s32 $0x9E00, s9;
	s20 =	sadd.s32 $0x13C00, s9  }
0xb: {  	v0 =	vlaneseq.u32;
	[tilespmem:s11], [sflag:$0x1] =	stream.linear.gather [hbm4b:s10+s6], $0x4E20, $0x38;
	[tilespmem:$0x19F10] =	vst v63  }
0xc: {  	s21 =	sor.u32 $0x10, s7;
	v1 =	vor.u32 s7, v0;
	s22 =	sor.u32 $0x20, s7;
	s23 =	sor.u32 $0x30, s7  }
0xd: {  	s25 =	sor.u32 $0x40, s7;
	s26 =	sor.u32 $0x50, s7;
	s28 =	sor.u32 $0x60, s7;
	v1 =	vmin.u32 v1, $0x270F;
	v2 =	vor.u32 s21, v0;
	v3 =	vor.u32 s22, v0  }
0xe: {  	s29 =	sor.u32 $0x70, s7;
	s30 =	sadd.s32 $0x90, s7;
	s31 =	sadd.s32 $0xA0, s7;
	v4 =	vor.u32 s23, v0;
	v29 =	vor.u32 s25, v0;
	v30 =	vor.u32 s26, v0  }
0xf: {  	s11 =	sadd.s32 $0xB0, s7;
	s13 =	sadd.s32 $0xD0, s7;
	s14 =	sadd.s32 $0xE0, s7;
	v31 =	vor.u32 s28, v0;
	v32 =	vor.u32 s29, v0;
	v34 =	vor.u32 s30, v0  }
0x10: {  	s15 =	sadd.s32 $0xF0, s7;
	s10 =	sadd.s32 $0x100, s7;
	s16 =	sadd.s32 $0x110, s7;
	v35 =	vor.u32 s31, v0;
	v36 =	vor.u32 s11, v0;
	v38 =	vor.u32 s13, v0  }
0x11: {  	s17 =	sadd.s32 $0x120, s7;
	s18 =	sadd.s32 $0x130, s7;
	s19 =	sadd.s32 $0x140, s7;
	v39 =	vor.u32 s14, v0;
	v40 =	vor.u32 s15, v0;
	v41 =	vor.u32 s10, v0  }
0x12: {  	v42 =	vor.u32 s16, v0;
	v43 =	vor.u32 s17, v0;
	v44 =	vor.u32 s18, v0;
	s21 =	sadd.s32 $0x160, s7;
	s22 =	sadd.s32 $0x170, s7;
	s11 =	sadd.s32 $0x180, s7  }
0x13: {  	v45 =	vor.u32 s19, v0;
	s23 =	sadd.s32 $0x190, s7;
	s25 =	sadd.s32 $0x1B0, s7;
	s26 =	sadd.s32 $0x1C0, s7;
	v1 =	vshll.u32 v1, $0x7;
	v2 =	vmin.u32 v2, $0x270F  }
0x14: {  	s28 =	sadd.s32 $0x1D0, s7;
	s29 =	sadd.s32 $0x1E0, s7;
	s30 =	sadd.s32 $0x1F0, s7;
	v3 =	vmin.u32 v3, $0x270F;
	v47 =	vor.u32 s21, v0;
	v48 =	vor.u32 s22, v0  }
0x15: {  	s31 =	sadd.s32 $0x200, s7;
	s13 =	sadd.s32 $0x210, s7;
	s14 =	sadd.s32 $0x220, s7;
	v49 =	vor.u32 s11, v0;
	v50 =	vor.u32 s23, v0;
	v52 =	vor.u32 s25, v0  }
0x16: {  	s15 =	sadd.s32 $0x230, s7;
	s16 =	sadd.s32 $0x240, s7;
	s17 =	sadd.s32 $0x250, s7;
	v53 =	vor.u32 s26, v0;
	v54 =	vor.u32 s28, v0;
	v55 =	vor.u32 s29, v0  }
0x17: {  	[tilespmem:s12], [sflag:$0x1] =	stream.linear.gather [hbm4b:s9+s6], $0x4E20, $0x38;
	v56 =	vor.u32 s30, v0;
	v57 =	vor.u32 s31, v0;
	v58 =	vor.u32 s13, v0;
	[tilespmem:$0x19F10] =	vst v63  }
0x18: {  	s18 =	sadd.s32 $0x260, s7;
	s9 =	sadd.s32 $0x80, s7;
	s12 =	sadd.s32 $0xC0, s7;
	v59 =	vor.u32 s14, v0;
	v60 =	vor.u32 s15, v0;
	v61 =	vor.u32 s16, v0  }
0x19: {  	v62 =	vor.u32 s17, v0;
	v63 =	vor.u32 s18, v0;
	v2 =	vshll.u32 v2, $0x7;
	[tilespmem:s24], [sflag:$0x1] =	stream.linear.gather [hbm4b:s20+s6], $0x4E20, $0x38;
	[tilespmem:$0x19F10] =	vst v63  }
0x1a: {  	v33 =	vor.u32 s9, v0;
	v37 =	vor.u32 s12, v0;
	s20 =	sadd.s32 $0x150, s7;
	s24 =	sadd.s32 $0x1A0, s7;
	[tilespmem:$0x13B80] =	vst v1;
	v1 =	vshll.u32 v3, $0x7  }
0x1b: {  	s19 =	sadd.s32 $0x270, s7;
	v3 =	vmin.u32 v4, $0x270F;
	[tilespmem:$0x13B90] =	vst v2;
	v46 =	vor.u32 s20, v0;
	v51 =	vor.u32 s24, v0  }
0x1c: {  	v0 =	vor.u32 s19, v0;
	v2 =	vshll.u32 v3, $0x7;
	v3 =	vmin.u32 v29, $0x270F;
	[tilespmem:$0x13BA0] =	vst v1  }
0x1d: {  	v0 =	vmin.u32 v0, $0x270F;
	v1 =	vshll.u32 v3, $0x7;
	[tilespmem:$0x13BB0] =	vst v2  }
0x1e: {  	v3 =	vmin.u32 v30, $0x270F;
	v0 =	vshll.u32 v0, $0x7;
	[tilespmem:$0x13BC0] =	vst v1  }
0x1f: {  	v2 =	vshll.u32 v3, $0x7;
	v3 =	vmin.u32 v31, $0x270F;
	[tilespmem:$0x13DF0] =	vst v0  }
0x20: {  	v1 =	vshll.u32 v3, $0x7;
	v3 =	vmin.u32 v32, $0x270F;
	[tilespmem:$0x13BD0] =	vst v2  }
0x21: {  	v2 =	vshll.u32 v3, $0x7;
	v3 =	vmin.u32 v33, $0x270F;
	[tilespmem:$0x13BE0] =	vst v1  }
0x22: {  	v1 =	vshll.u32 v3, $0x7;
	v3 =	vmin.u32 v34, $0x270F;
	[tilespmem:$0x13BF0] =	vst v2  }
0x23: {  	v2 =	vshll.u32 v3, $0x7;
	v3 =	vmin.u32 v35, $0x270F;
	[tilespmem:$0x13C00] =	vst v1  }
0x24: {  	v1 =	vshll.u32 v3, $0x7;
	v3 =	vmin.u32 v36, $0x270F;
	[tilespmem:$0x13C10] =	vst v2  }
0x25: {  	v2 =	vshll.u32 v3, $0x7;
	v3 =	vmin.u32 v37, $0x270F;
	[tilespmem:$0x13C20] =	vst v1  }
0x26: {  	v1 =	vshll.u32 v3, $0x7;
	v3 =	vmin.u32 v38, $0x270F;
	[tilespmem:$0x13C30] =	vst v2  }
0x27: {  	v2 =	vshll.u32 v3, $0x7;
	v3 =	vmin.u32 v39, $0x270F;
	[tilespmem:$0x13C40] =	vst v1  }
0x28: {  	v1 =	vshll.u32 v3, $0x7;
	v3 =	vmin.u32 v40, $0x270F;
	[tilespmem:$0x13C50] =	vst v2  }
0x29: {  	v2 =	vshll.u32 v3, $0x7;
	v3 =	vmin.u32 v41, $0x270F;
	[tilespmem:$0x13C60] =	vst v1  }
0x2a: {  	v1 =	vshll.u32 v3, $0x7;
	v3 =	vmin.u32 v42, $0x270F;
	[tilespmem:$0x13C70] =	vst v2  }
0x2b: {  	v2 =	vshll.u32 v3, $0x7;
	v3 =	vmin.u32 v43, $0x270F;
	[tilespmem:$0x13C80] =	vst v1  }
0x2c: {  	v1 =	vshll.u32 v3, $0x7;
	v3 =	vmin.u32 v44, $0x270F;
	[tilespmem:$0x13C90] =	vst v2  }
0x2d: {  	v2 =	vshll.u32 v3, $0x7;
	v3 =	vmin.u32 v45, $0x270F;
	[tilespmem:$0x13CA0] =	vst v1  }
0x2e: {  	v1 =	vshll.u32 v3, $0x7;
	v3 =	vmin.u32 v46, $0x270F;
	[tilespmem:$0x13CB0] =	vst v2  }
0x2f: {  	v2 =	vshll.u32 v3, $0x7;
	v3 =	vmin.u32 v47, $0x270F;
	[tilespmem:$0x13CC0] =	vst v1  }
0x30: {  	v1 =	vshll.u32 v3, $0x7;
	v3 =	vmin.u32 v48, $0x270F;
	[tilespmem:$0x13CD0] =	vst v2  }
0x31: {  	v2 =	vshll.u32 v3, $0x7;
	v3 =	vmin.u32 v49, $0x270F;
	[tilespmem:$0x13CE0] =	vst v1  }
0x32: {  	v1 =	vshll.u32 v3, $0x7;
	v3 =	vmin.u32 v50, $0x270F;
	[tilespmem:$0x13CF0] =	vst v2  }
0x33: {  	v2 =	vshll.u32 v3, $0x7;
	v3 =	vmin.u32 v51, $0x270F;
	[tilespmem:$0x13D00] =	vst v1  }
0x34: {  	v1 =	vshll.u32 v3, $0x7;
	v3 =	vmin.u32 v52, $0x270F;
	[tilespmem:$0x13D10] =	vst v2  }
0x35: {  	v2 =	vshll.u32 v3, $0x7;
	v3 =	vmin.u32 v53, $0x270F;
	[tilespmem:$0x13D20] =	vst v1  }
0x36: {  	v1 =	vshll.u32 v3, $0x7;
	v3 =	vmin.u32 v54, $0x270F;
	[tilespmem:$0x13D30] =	vst v2  }
0x37: {  	v2 =	vshll.u32 v3, $0x7;
	v3 =	vmin.u32 v55, $0x270F;
	[tilespmem:$0x13D40] =	vst v1  }
0x38: {  	v1 =	vshll.u32 v3, $0x7;
	v3 =	vmin.u32 v56, $0x270F;
	[tilespmem:$0x13D50] =	vst v2  }
0x39: {  	v2 =	vshll.u32 v3, $0x7;
	v3 =	vmin.u32 v57, $0x270F;
	[tilespmem:$0x13D60] =	vst v1  }
0x3a: {  	v1 =	vshll.u32 v3, $0x7;
	v3 =	vmin.u32 v58, $0x270F;
	[tilespmem:$0x13D70] =	vst v2  }
0x3b: {  	v2 =	vshll.u32 v3, $0x7;
	v3 =	vmin.u32 v59, $0x270F;
	[tilespmem:$0x13D80] =	vst v1  }
0x3c: {  	v1 =	vshll.u32 v3, $0x7;
	v3 =	vmin.u32 v60, $0x270F;
	[tilespmem:$0x13D90] =	vst v2  }
0x3d: {  	v2 =	vshll.u32 v3, $0x7;
	v3 =	vmin.u32 v61, $0x270F;
	[tilespmem:$0x13DA0] =	vst v1  }
0x3e: {  	v1 =	vshll.u32 v3, $0x7;
	v3 =	vmin.u32 v62, $0x270F;
	[tilespmem:$0x13DB0] =	vst v2  }
0x3f: {  	v2 =	vshll.u32 v3, $0x7;
	v3 =	vmin.u32 v63, $0x270F;
	[tilespmem:$0x13DC0] =	vst v1  }
0x40: {  	v1 =	vshll.u32 v3, $0x7;
	[tilespmem:$0x13DD0] =	vst v2  }
0x41: {  	s14 =	simm.s32 $0x13B80;
	s15 =	simm.s32 $0x13F80;
	s20 =	simm.s32 $0x80;
	[tilespmem:$0x13DE0] =	vst v1  }
0x42: {  	[tilespmem:s15], [sflag:$0x1] =	stream.indirect.gather [hbm4b:s8+s20], $0x1, s14, s20, $0xb8;
	[tilespmem:$0x19F10] =	vst v63  }
0x43: {  	s21 =	simm.s32 $0x13C00;
	s16 =	simm.s32 $0x14000  }
0x44: {  	[tilespmem:s16], [sflag:$0x1] =	stream.indirect.gather [hbm4b:s8+s20], $0x1, s21, s20, $0xb8;
	[tilespmem:$0x19F10] =	vst v63  }
0x45: {  	s22 =	simm.s32 $0x13C80;
	s17 =	simm.s32 $0x14080  }
0x46: {  	[tilespmem:s17], [sflag:$0x1] =	stream.indirect.gather [hbm4b:s8+s20], $0x1, s22, s20, $0xb8;
	[tilespmem:$0x19F10] =	vst v63  }
0x47: {  	s23 =	simm.s32 $0x13D00;
	s18 =	simm.s32 $0x14100  }
0x48: {  	[tilespmem:s18], [sflag:$0x1] =	stream.indirect.gather [hbm4b:s8+s20], $0x1, s23, s20, $0xb8;
	[tilespmem:$0x19F10] =	vst v63  }
0x49: {  	s25 =	simm.s32 $0x1;
	s24 =	simm.s32 $0x13D80;
	s19 =	simm.s32 $0x14180  }
0x4a: {  	[tilespmem:s19], [sflag:$0x1] =	stream.indirect.gather [hbm4b:s8+s20], $0x1, s24, s20, $0xb8;
	[tilespmem:$0x19F10] =	vst v63  }
0x4b: {  	_ =	swait.ge [sflag:s25], $0x80  }
0x4c: {  	[sflag:s25] =	ssyncset.done $0x0  }
0x4d: {  	[sflag:s25] =	ssyncadd.s32 $0xFFFFFF80  }
0x4e: {  	_ =	swait.ge [sflag:s25], $0x80  }
0x4f: {  	[sflag:s25] =	ssyncset.done $0x0  }
0x50: {  	[sflag:s25] =	ssyncadd.s32 $0xFFFFFF80  }
0x51: {  	_ =	swait.ge [sflag:s25], $0x80  }
0x52: {  	[sflag:s25] =	ssyncset.done $0x0  }
0x53: {  	[sflag:s25] =	ssyncadd.s32 $0xFFFFFF80  }
0x54: {  	_ =	swait.ge [sflag:s25], $0x80  }
0x55: {  	[sflag:s25] =	ssyncset.done $0x0  }
0x56: {  	[sflag:s25] =	ssyncadd.s32 $0xFFFFFF80  }
0x57: {  	_ =	swait.ge [sflag:s25], $0x80  }
0x58: {  	[sflag:s25] =	ssyncset.done $0x0  }
0x59: {  	s26 =	simm.s32 $0x2;
	s7 =	sadd.s32 s7, s5;
	[sflag:s25] =	ssyncadd.s32 $0xFFFFFF80  }
0x5a: {  	[spmem:s7] =	stream.linear.scatter [tilespmem:s15], [sflag:$0x2], $0x80, $0x38;
	[tilespmem:$0x19F10] =	vst v63  }
0x5b: {  	_ =	swait.ge [sflag:s26], $0x80  }
0x5c: {  	[sflag:s26] =	ssyncset.done $0x0  }
0x5d: {  	s28 =	sadd.s32 s9, s5;
	[sflag:s26] =	ssyncadd.s32 $0xFFFFFF80  }
0x5e: {  	[spmem:s28] =	stream.linear.scatter [tilespmem:s16], [sflag:$0x2], $0x80, $0x38;
	[tilespmem:$0x19F10] =	vst v63  }
0x5f: {  	_ =	swait.ge [sflag:s26], $0x80  }
0x60: {  	[sflag:s26] =	ssyncset.done $0x0  }
0x61: {  	s29 =	sadd.s32 s10, s5;
	[sflag:s26] =	ssyncadd.s32 $0xFFFFFF80  }
0x62: {  	[spmem:s29] =	stream.linear.scatter [tilespmem:s17], [sflag:$0x2], $0x80, $0x38;
	[tilespmem:$0x19F10] =	vst v63  }
0x63: {  	_ =	swait.ge [sflag:s26], $0x80  }
0x64: {  	[sflag:s26] =	ssyncset.done $0x0  }
0x65: {  	s30 =	sadd.s32 s11, s5;
	[sflag:s26] =	ssyncadd.s32 $0xFFFFFF80  }
0x66: {  	[spmem:s30] =	stream.linear.scatter [tilespmem:s18], [sflag:$0x2], $0x80, $0x38;
	[tilespmem:$0x19F10] =	vst v63  }
0x67: {  	_ =	swait.ge [sflag:s26], $0x80  }
0x68: {  	[sflag:s26] =	ssyncset.done $0x0  }
0x69: {  	s31 =	sadd.s32 s31, s5;
	[sflag:s26] =	ssyncadd.s32 $0xFFFFFF80  }
0x6a: {  	[spmem:s31] =	stream.linear.scatter [tilespmem:s19], [sflag:$0x2], $0x80, $0x38;
	[tilespmem:$0x19F10] =	vst v63  }
0x6b: {  	_ =	swait.ge [sflag:s26], $0x80  }
0x6c: {  	[sflag:s26] =	ssyncset.done $0x0  }
0x6d: {  	[sflag:s26] =	ssyncadd.s32 $0xFFFFFF80  }
0x6e: {  	[bflag:$0x0] =	sbarrier.arrive $0xFFFF  }
0x6f: {  	[tilespmem:s6], [sflag:$0x2] =	stream.linear.gather [spmem:s5], $0x2800, $0x38;
	[tilespmem:$0x19F10] =	vst v63  }
0x70: {  	_ =	swait.ge [sflag:s26], $0x2800  }
0x71: {  	[sflag:s26] =	ssyncset.done $0x0  }
0x72: {  	v0 =	vimm.f32 $0.0e+00;
	s5 =	simm.s32 $0x0;
	s6 =	simm.s32 $0x200;
	[sflag:s26] =	ssyncadd.s32 $0xFFFFD800  }
.LBB2_1:
0x73: {  	p0 =	sne.s32 s6, $0x9E00;
	[tilespmem:s5+$0x2870] =	vst v0  }
0x74: {  	[tilespmem:s5+$0x2800] =	vst v0  }
0x75: {  	[tilespmem:s5+$0x2810] =	vst v0  }
.Ltmp0:
0x76: {  	[tilespmem:s5+$0x2820] =	vst v0;
	(pc) =	sbr.rel @p0 .LBB2_1-.Ltmp0, $4  }
0x77: {  	[tilespmem:s5+$0x2830] =	vst v0  }
0x78: {  	[tilespmem:s5+$0x2840] =	vst v0  }
0x79: {  	[tilespmem:s5+$0x2850] =	vst v0  }
0x7a: {  	[tilespmem:s5+$0x2860] =	vst v0;
	s5 =	sshra.s32 s6, $0x2;
	s6 =	sadd.s32 $0x200, s6  }
0x7b: {  	[tilespmem:s5+$0x2870] =	vst v0  }
0x7c: {  	[tilespmem:s5+$0x2800] =	vst v0  }
0x7d: {  	[tilespmem:s5+$0x2810] =	vst v0  }
0x7e: {  	[tilespmem:s5+$0x2820] =	vst v0  }
0x7f: {  	[tilespmem:s5+$0x2830] =	vst v0  }
0x80: {  	[tilespmem:s5+$0x2840] =	vst v0  }
0x81: {  	[tilespmem:s5+$0x2850] =	vst v0  }
0x82: {  	[tilespmem:s5+$0x2860] =	vst v0;
	s31 =	simm.s32 $0x1  }
0x83: {  	_ =	swait.ge [sflag:s31], $0x4E20  }
0x84: {  	[sflag:s31] =	ssyncset.done $0x0  }
0x85: {  	[sflag:s31] =	ssyncadd.s32 $0xFFFFB1E0  }
0x86: {  	_ =	swait.ge [sflag:s31], $0x4E20  }
0x87: {  	[sflag:s31] =	ssyncset.done $0x0  }
0x88: {  	[sflag:s31] =	ssyncadd.s32 $0xFFFFB1E0  }
0x89: {  	_ =	swait.ge [sflag:s31], $0x4E20  }
0x8a: {  	[sflag:s31] =	ssyncset.done $0x0  }
0x8b: {  	s8 =	simm.s32 $0x5040;
	[sflag:s31] =	ssyncadd.s32 $0xFFFFB1E0  }
0x8c: {  	v0 =	vld [tilespmem:s8+$0x30]  }
0x8d: {  	v1 =	vld [tilespmem:s8+$0xFFFFFFD0]  }
0x8e: {  	v2 =	vld [tilespmem:s8+$0xFFFFFFE0]  }
0x8f: {  	v3 =	vld [tilespmem:s8+$0xFFFFFFF0]  }
0x90: {  	v4 =	vld [tilespmem:s8+$0x0]  }
0x91: {  	s5 =	simm.s32 $0x9EC0;
	v5 =	vld [tilespmem:s8+$0x10]  }
0x92: {  	s7 =	simm.s32 $0xED40;
	v6 =	vld [tilespmem:s5+$0x30]  }
0x93: {  	v7 =	vld [tilespmem:s7+$0x30]  }
0x94: {  	v8 =	vld [tilespmem:s8+$0xFFFFFFC0]  }
0x95: {  	v9 =	vld [tilespmem:s8+$0x20]  }
0x96: {  	v57 =	vld [tilespmem:s5+$0xFFFFFFC0]  }
0x97: {  	v58 =	vld [tilespmem:s7+$0xFFFFFFC0]  }
0x98: {  	v59 =	vld [tilespmem:s7+$0xFFFFFFD0]  }
0x99: {  	s6 =	simm.s32 $0x0;
	v10 =	vld [tilespmem:s7+$0xFFFFFFE0]  }
0x9a: {  	v0 =	vld.idx.msk [tilespmem:v0+s6+$0x0], $0xffff  }
0x9b: {  	v11 =	vld [tilespmem:s5+$0xFFFFFFD0]  }
0x9c: {  	v12 =	vld [tilespmem:s7+$0xFFFFFFF0]  }
0x9d: {  	v13 =	vld [tilespmem:s7+$0x0]  }
0x9e: {  	v60 =	vld [tilespmem:s5+$0xFFFFFFE0]  }
0x9f: {  	v61 =	vld [tilespmem:s5+$0x0];
	v0 =	vmul.f32 v7, v0  }
0xa0: {  	s8 =	simm.s32 $0x2800;
	v62 =	vld [tilespmem:s5+$0x10]  }
0xa1: {  	[tilespmem:v6+s8+$0x0] =	vst.idx.add.f32.msk $0xffff, v0  }
0xa2: {  	v0 =	vld.idx.msk [tilespmem:v8+s6+$0x0], $0xffff  }
0xa3: {  	v63 =	vld [tilespmem:s7+$0x10]  }
0xa4: {  	v14 =	vld [tilespmem:s7+$0x20]  }
0xa5: {  	v1 =	vld.idx.msk [tilespmem:v1+s6+$0x0], $0xffff  }
0xa6: {  	v2 =	vld.idx.msk [tilespmem:v2+s6+$0x0], $0xffff  }
0xa7: {  	v4 =	vld.idx.msk [tilespmem:v4+s6+$0x0], $0xffff;
	v0 =	vmul.f32 v58, v0  }
0xa8: {  	v5 =	vld.idx.msk [tilespmem:v5+s6+$0x0], $0xffff  }
0xa9: {  	[tilespmem:v57+s8+$0x0] =	vst.idx.add.f32.msk $0xffff, v0  }
0xaa: {  	v0 =	vld [tilespmem:s5+$0xFFFFFFF0]  }
0xab: {  	v3 =	vld.idx.msk [tilespmem:v3+s6+$0x0], $0xffff;
	v1 =	vmul.f32 v59, v1  }
0xac: {  	v9 =	vld.idx.msk [tilespmem:v9+s6+$0x0], $0xffff  }
0xad: {  	v2 =	vmul.f32 v10, v2;
	[tilespmem:v11+s8+$0x0] =	vst.idx.add.f32.msk $0xffff, v1  }
0xae: {  	v4 =	vmul.f32 v13, v4;
	v1 =	vld [tilespmem:s5+$0x20]  }
0xaf: {  	[tilespmem:v60+s8+$0x0] =	vst.idx.add.f32.msk $0xffff, v2;
	v2 =	vmul.f32 v63, v5  }
0xb0: {  	v3 =	vmul.f32 v12, v3;
	[tilespmem:v61+s8+$0x0] =	vst.idx.add.f32.msk $0xffff, v4  }
0xb1: {  	[tilespmem:v62+s8+$0x0] =	vst.idx.add.f32.msk $0xffff, v2  }
0xb2: {  	s9 =	simm.s32 $0x0;
	s10 =	simm.s32 $0x50C0;
	[tilespmem:v0+s8+$0x0] =	vst.idx.add.f32.msk $0xffff, v3;
	v0 =	vmul.f32 v14, v9  }
.LBB2_3:
0xb3: {  	v2 =	vld [tilespmem:s10+$0x30];
	s9 =	sadd.s32 $0x8, s9  }
0xb4: {  	v3 =	vld [tilespmem:s10+$0xFFFFFFD0];
	p0 =	slt.u32 s9, $0x4D8  }
0xb5: {  	v4 =	vld [tilespmem:s10+$0xFFFFFFE0]  }
0xb6: {  	v5 =	vld [tilespmem:s10+$0xFFFFFFF0]  }
0xb7: {  	v6 =	vld [tilespmem:s10+$0x0]  }
0xb8: {  	v7 =	vld [tilespmem:s10+$0x10]  }
0xb9: {  	s5 =	sadd.s32 $0x80, s5;
	v8 =	vld [tilespmem:s10+$0x20]  }
0xba: {  	v9 =	vld [tilespmem:s5+$0x30]  }
0xbb: {  	s7 =	sadd.s32 $0x80, s7;
	v2 =	vld.idx.msk [tilespmem:v2+s6+$0x0], $0xffff  }
0xbc: {  	v10 =	vld [tilespmem:s7+$0x30]  }
0xbd: {  	v11 =	vld [tilespmem:s10+$0xFFFFFFC0]  }
0xbe: {  	v3 =	vld.idx.msk [tilespmem:v3+s6+$0x0], $0xffff  }
0xbf: {  	v4 =	vld.idx.msk [tilespmem:v4+s6+$0x0], $0xffff  }
0xc0: {  	v5 =	vld.idx.msk [tilespmem:v5+s6+$0x0], $0xffff  }
0xc1: {  	v6 =	vld.idx.msk [tilespmem:v6+s6+$0x0], $0xffff;
	v2 =	vmul.f32 v10, v2  }
0xc2: {  	v7 =	vld.idx.msk [tilespmem:v7+s6+$0x0], $0xffff  }
0xc3: {  	[tilespmem:v9+s8+$0x0] =	vst.idx.add.f32.msk $0xffff, v2  }
0xc4: {  	v2 =	vld.idx.msk [tilespmem:v8+s6+$0x0], $0xffff  }
0xc5: {  	v8 =	vld.idx.msk [tilespmem:v11+s6+$0x0], $0xffff  }
0xc6: {  	v9 =	vld [tilespmem:s7+$0xFFFFFFC0]  }
0xc7: {  	v10 =	vld [tilespmem:s7+$0xFFFFFFD0]  }
0xc8: {  	v11 =	vld [tilespmem:s7+$0xFFFFFFE0]  }
0xc9: {  	v12 =	vld [tilespmem:s7+$0xFFFFFFF0]  }
0xca: {  	v13 =	vld [tilespmem:s7+$0x0]  }
0xcb: {  	v8 =	vmul.f32 v9, v8;
	v9 =	vld [tilespmem:s7+$0x10]  }
0xcc: {  	v3 =	vmul.f32 v10, v3;
	v10 =	vld [tilespmem:s7+$0x20]  }
0xcd: {  	v14 =	vld [tilespmem:s5+$0xFFFFFFC0];
	v4 =	vmul.f32 v11, v4  }
0xce: {  	v11 =	vld [tilespmem:s5+$0xFFFFFFD0];
	v5 =	vmul.f32 v12, v5  }
0xcf: {  	v12 =	vld [tilespmem:s5+$0xFFFFFFE0];
	v6 =	vmul.f32 v13, v6  }
0xd0: {  	v13 =	vld [tilespmem:s5+$0xFFFFFFF0];
	v7 =	vmul.f32 v9, v7  }
0xd1: {  	v9 =	vld [tilespmem:s5+$0x0];
	v2 =	vmul.f32 v10, v2  }
0xd2: {  	v10 =	vld [tilespmem:s5+$0x10]  }
0xd3: {  	v15 =	vld [tilespmem:s5+$0x20]  }
0xd4: {  	[tilespmem:v1+s8+$0x0] =	vst.idx.add.f32.msk $0xffff, v0;
	v0 =	vmov v2  }
0xd5: {  	[tilespmem:v14+s8+$0x0] =	vst.idx.add.f32.msk $0xffff, v8  }
.Ltmp1:
0xd6: {  	[tilespmem:v11+s8+$0x0] =	vst.idx.add.f32.msk $0xffff, v3;
	(pc) =	sbr.rel @p0 .LBB2_3-.Ltmp1, $4  }
0xd7: {  	[tilespmem:v12+s8+$0x0] =	vst.idx.add.f32.msk $0xffff, v4  }
0xd8: {  	[tilespmem:v13+s8+$0x0] =	vst.idx.add.f32.msk $0xffff, v5;
	v1 =	vmov v15  }
0xd9: {  	[tilespmem:v9+s8+$0x0] =	vst.idx.add.f32.msk $0xffff, v6  }
0xda: {  	s10 =	sadd.s32 $0x80, s10;
	[tilespmem:v10+s8+$0x0] =	vst.idx.add.f32.msk $0xffff, v7  }
0xdb: {  	_ =	sdelay $0x3  }
0xdc: {  	[tilespmem:v1+s8+$0x0] =	vst.idx.add.f32.msk $0xffff, v0;
	s5 =	simm.s32 $0x0;
	s6 =	simm.s32 $0x2800;
	s7 =	simm.s32 $0x0  }
.LBB2_5:
0xdd: {  	s8 =	sshra.s32 s7, $0x2  }
0xde: {  	v0 =	vld [tilespmem:s8+$0x9E00];
	_ =	sdelay $0x5  }
0xdf: {  	v1 =	vld [tilespmem:s8+$0xEC80]  }
0xe0: {  	v2 =	vld [tilespmem:s8+$0x13B00]  }
0xe1: {  	v0 =	vld.idx.msk [tilespmem:v0+s5+$0x0], $0xffff;
	_ =	sdelay $0x1  }
0xe2: {  	p0 =	sne.s32 s7, $0x40  }
.Ltmp2:
0xe3: {  	_ = 	snop;
	(pc) =	sbr.rel @p0 .LBB2_5-.Ltmp2, $3  }
0xe4: {  	_ = 	snop  }
0xe5: {  	v0 =	vmul.f32 v2, v0;
	_ =	sdelay $0x1  }
0xe6: {  	s7 =	sadd.s32 $0x40, s7;
	[tilespmem:v1+s6+$0x0] =	vst.idx.add.f32.msk $0xffff, v0  }
0xe7: {  	s5 =	sshrl.u32 s3, $0x3  }
0xe8: {  	s6 =	smul.u32 $0x50000, s5;
	_ =	sdelay $0x1  }
0xe9: {  	s14 =	simm.s32 $0x80;
	s5 =	sshll.u32 s3, $0x7;
	s6 =	sshrl.u32 s6, $0x2  }
0xea: {  	s8 =	simm.s32 $0x400;
	s7 =	sand.u32 $0x380, s5;
	s6 =	sadd.s32 s6, s4  }
0xeb: {  	s9 =	simm.s32 $0x2800;
	s15 =	simm.s32 $0x2;
	s6 =	sadd.s32 s7, s6  }
0xec: {  	[spmem:s6] =	stream.strided.scatter [tilespmem:s9], [sflag:$0x2], $0x2800, s8, s14, $0x38;
	[tilespmem:$0x19F10] =	vst v63  }
0xed: {  	s16 =	smul.u32 $0x5000, s3;
	_ =	swait.ge [sflag:s15], $0x2800  }
0xee: {  	s18 =	simm.s32 $0x1400;
	[sflag:s15] =	ssyncset.done $0x0  }
0xef: {  	s19 =	simm.s32 $0x14000;
	s7 =	sshrl.u32 s16, $0x2;
	[sflag:s15] =	ssyncadd.s32 $0xFFFFD800  }
0xf0: {  	s20 =	simm.s32 $0x14380;
	s17 =	sadd.s32 s7, s4;
	[bflag:$0x0] =	sbarrier.arrive $0xFFFF  }
0xf1: {  	[tilespmem:s20], [sflag:$0x2] =	stream.strided.gather [spmem:s17], $0x2800, s19, s18, $0x38;
	[tilespmem:$0x19F10] =	vst v63  }
0xf2: {  	s21 =	simm.s32 $0x0;
	_ =	swait.ge [sflag:s15], $0x2800  }
0xf3: {  	s22 =	sand.u32 $0x70, s21;
	s23 =	sand.u32 $0x1C00, s21;
	[sflag:s15] =	ssyncset.done $0x0  }
0xf4: {  	s24 =	sor.u32 s22, s23;
	[sflag:s15] =	ssyncadd.s32 $0xFFFFD800  }
0xf5: {  	v0 =	vld [tilespmem:s24+$0x14380]  }
0xf6: {  	v1 =	vld [tilespmem:s24+$0x14400];
	_ =	sdelay $0x1  }
0xf7: {  	v2 =	vld [tilespmem:s24+$0x14480];
	_ =	sdelay $0x1  }
0xf8: {  	v3 =	vld [tilespmem:s24+$0x14500]  }
0xf9: {  	v0 =	vadd.f32 v1, v0  }
0xfa: {  	v1 =	vld [tilespmem:s24+$0x14580]  }
0xfb: {  	v0 =	vadd.f32 v2, v0  }
0xfc: {  	v2 =	vld [tilespmem:s24+$0x14600]  }
0xfd: {  	v0 =	vadd.f32 v3, v0  }
0xfe: {  	s4 =	sor.u32 s21, s21;
	v3 =	vld [tilespmem:s24+$0x14680]  }
0xff: {  	s4 =	sor.u32 $0x380, s4;
	v0 =	vadd.f32 v1, v0  }
0x100: {  	s25 =	simm.s32 $0x10;
	s26 =	simm.s32 $0x80;
	v1 =	vld [tilespmem:s4+$0x14380]  }
0x101: {  	s28 =	sand.u32 $0x70, s25;
	s29 =	sand.u32 $0x1C00, s26;
	v4 =	vld [tilespmem:s24+$0x15800];
	v0 =	vadd.f32 v2, v0  }
0x102: {  	s4 =	sor.u32 s28, s29;
	v2 =	vld [tilespmem:s24+$0x15780]  }
0x103: {  	v5 =	vld [tilespmem:s4+$0x14380];
	v0 =	vadd.f32 v3, v0  }
0x104: {  	v3 =	vld [tilespmem:s4+$0x14400]  }
0x105: {  	v6 =	vld [tilespmem:s24+$0x15880];
	v0 =	vadd.f32 v1, v0  }
0x106: {  	v1 =	vld [tilespmem:s4+$0x14480]  }
0x107: {  	v7 =	vld [tilespmem:s24+$0x15900];
	v0 =	vadd.f32 v2, v0  }
0x108: {  	v2 =	vld [tilespmem:s4+$0x14500]  }
0x109: {  	v8 =	vld [tilespmem:s24+$0x15980];
	v3 =	vadd.f32 v3, v5;
	v0 =	vadd.f32 v4, v0  }
0x10a: {  	v5 =	vld [tilespmem:s4+$0x14580]  }
0x10b: {  	v9 =	vld [tilespmem:s24+$0x15A00];
	v3 =	vadd.f32 v1, v3;
	v0 =	vadd.f32 v6, v0  }
0x10c: {  	v10 =	vld [tilespmem:s4+$0x14600]  }
0x10d: {  	s7 =	sor.u32 s26, s25;
	v4 =	vld [tilespmem:s4+$0x14680];
	v3 =	vadd.f32 v2, v3;
	v0 =	vadd.f32 v7, v0  }
0x10e: {  	s8 =	sor.u32 $0x380, s7;
	v1 =	vld [tilespmem:s24+$0x15A80]  }
0x10f: {  	v6 =	vld [tilespmem:s8+$0x14380];
	v5 =	vadd.f32 v5, v3;
	v7 =	vadd.f32 v8, v0  }
0x110: {  	s7 =	simm.s32 $0x20;
	s8 =	simm.s32 $0x100;
	v2 =	vld [tilespmem:s24+$0x15B00]  }
0x111: {  	s30 =	sand.u32 $0x70, s7;
	s31 =	sand.u32 $0x1C00, s8;
	v3 =	vld [tilespmem:s4+$0x15800];
	v8 =	vadd.f32 v10, v5;
	v5 =	vadd.f32 v9, v7  }
0x112: {  	s9 =	simm.s32 $0x30;
	s6 =	sor.u32 s30, s31;
	v0 =	vimm.f32 $0.0e+00;
	v7 =	vld [tilespmem:s4+$0x15780]  }
.LBB2_7:
0x113: {  	p0 =	sne.s32 s9, $0x270;
	v9 =	vld [tilespmem:s6+$0x14380];
	v4 =	vadd.f32 v4, v8;
	v1 =	vadd.f32 v1, v5  }
0x114: {  	v5 =	vld [tilespmem:s6+$0x14400]  }
0x115: {  	v4 =	vadd.f32 v6, v4;
	v6 =	vld [tilespmem:s4+$0x15880];
	v1 =	vadd.f32 v2, v1  }
0x116: {  	v2 =	vld [tilespmem:s6+$0x14480]  }
0x117: {  	v4 =	vadd.f32 v7, v4;
	v7 =	vld [tilespmem:s4+$0x15900];
	v1 =	vmax.f32 v1, $0.0e+00  }
0x118: {  	v8 =	vld [tilespmem:s6+$0x14500];
	v0 =	vadd.f32 v1, v0  }
0x119: {  	v1 =	vadd.f32 v5, v9;
	v3 =	vadd.f32 v3, v4;
	v5 =	vld [tilespmem:s4+$0x15980]  }
0x11a: {  	v9 =	vld [tilespmem:s6+$0x14580]  }
0x11b: {  	v1 =	vadd.f32 v2, v1;
	v2 =	vadd.f32 v6, v3;
	v10 =	vld [tilespmem:s4+$0x15A00]  }
0x11c: {  	v3 =	vld [tilespmem:s6+$0x14600]  }
0x11d: {  	v6 =	vadd.f32 v8, v1;
	v2 =	vadd.f32 v7, v2;
	v1 =	vld [tilespmem:s4+$0x15A80]  }
.Ltmp3:
0x11e: {  	s10 =	sor.u32 s8, s7;
	s7 =	smov.u32 s9;
	v4 =	vld [tilespmem:s6+$0x14680];
	(pc) =	sbr.rel @p0 .LBB2_7-.Ltmp3, $4  }
0x11f: {  	s10 =	sor.u32 $0x380, s10;
	v7 =	vadd.f32 v9, v6;
	v5 =	vadd.f32 v5, v2;
	v2 =	vld [tilespmem:s4+$0x15B00];
	s4 =	smov.u32 s6  }
0x120: {  	s8 =	sadd.s32 $0x80, s8;
	v6 =	vld [tilespmem:s10+$0x14380]  }
0x121: {  	s6 =	sand.u32 $0x70, s9;
	s10 =	sand.u32 $0x1C00, s8;
	v8 =	vadd.f32 v3, v7;
	v3 =	vld [tilespmem:s4+$0x15800];
	v5 =	vadd.f32 v10, v5  }
0x122: {  	s9 =	sadd.s32 $0x10, s9;
	s6 =	sor.u32 s6, s10;
	v7 =	vld [tilespmem:s4+$0x15780]  }
0x123: {  	v9 =	vld [tilespmem:s6+$0x14380]  }
0x124: {  	v10 =	vld [tilespmem:s6+$0x14400];
	_ =	sdelay $0x1  }
0x125: {  	v11 =	vld [tilespmem:s6+$0x14480];
	_ =	sdelay $0x1  }
0x126: {  	v12 =	vld [tilespmem:s6+$0x14500]  }
0x127: {  	v9 =	vadd.f32 v10, v9  }
0x128: {  	v42 =	vld [tilespmem:s6+$0x14580]  }
0x129: {  	v9 =	vadd.f32 v11, v9  }
0x12a: {  	v43 =	vld [tilespmem:s6+$0x14600]  }
0x12b: {  	v9 =	vadd.f32 v12, v9  }
0x12c: {  	v44 =	vld [tilespmem:s6+$0x14680];
	s7 =	sor.u32 s8, s7  }
0x12d: {  	s7 =	sor.u32 $0x380, s7;
	v9 =	vadd.f32 v42, v9  }
0x12e: {  	v45 =	vld [tilespmem:s7+$0x14380]  }
0x12f: {  	v4 =	vadd.f32 v4, v8;
	v46 =	vadd.f32 v43, v9  }
0x130: {  	v47 =	vld [tilespmem:s6+$0x15780]  }
0x131: {  	v48 =	vld [tilespmem:s4+$0x15880];
	v4 =	vadd.f32 v6, v4;
	v8 =	vadd.f32 v44, v46  }
0x132: {  	v49 =	vld [tilespmem:s6+$0x15800]  }
0x133: {  	v50 =	vld [tilespmem:s4+$0x15900];
	v4 =	vadd.f32 v7, v4;
	v8 =	vadd.f32 v45, v8  }
0x134: {  	v51 =	vld [tilespmem:s6+$0x15880]  }
0x135: {  	v52 =	vld [tilespmem:s4+$0x15980];
	v3 =	vadd.f32 v3, v4;
	v8 =	vadd.f32 v47, v8  }
0x136: {  	v53 =	vld [tilespmem:s6+$0x15900]  }
0x137: {  	v54 =	vld [tilespmem:s4+$0x15A00];
	v3 =	vadd.f32 v48, v3;
	v8 =	vadd.f32 v49, v8  }
0x138: {  	v55 =	vld [tilespmem:s6+$0x15980]  }
0x139: {  	v56 =	vld [tilespmem:s4+$0x15A80];
	v3 =	vadd.f32 v50, v3;
	v8 =	vadd.f32 v51, v8  }
0x13a: {  	v57 =	vld [tilespmem:s6+$0x15A00]  }
0x13b: {  	v59 =	vld [tilespmem:s4+$0x15B00];
	v3 =	vadd.f32 v52, v3;
	v58 =	vadd.f32 v53, v8  }
0x13c: {  	v1 =	vadd.f32 v1, v5;
	v60 =	vld [tilespmem:s6+$0x15A80]  }
0x13d: {  	v3 =	vadd.f32 v54, v3;
	v4 =	vadd.f32 v55, v58  }
0x13e: {  	v61 =	vld [tilespmem:s6+$0x15B00];
	v1 =	vadd.f32 v2, v1  }
0x13f: {  	v3 =	vadd.f32 v56, v3;
	v4 =	vadd.f32 v57, v4;
	_ =	sdelay $0x1  }
0x140: {  	v1 =	vmax.f32 v1, $0.0e+00;
	v3 =	vadd.f32 v59, v3;
	v4 =	vadd.f32 v60, v4  }
0x141: {  	v0 =	vadd.f32 v1, v0  }
0x142: {  	v62 =	vmax.f32 v3, $0.0e+00;
	v2 =	vadd.f32 v61, v4  }
0x143: {  	v0 =	vadd.f32 v62, v0  }
0x144: {  	v63 =	vmax.f32 v2, $0.0e+00  }
0x145: {  	v0 =	vadd.f32 v63, v0;
	_ =	sdelay $0x1  }
0x146: {  	s29 =	sadd.s32 s5, s2;
	s30 =	simm.s32 $0x16B80;
	s31 =	simm.s32 $0x2;
	[tilespmem:$0x16B80] =	vst v0  }
0x147: {  	[spmem:s29] =	stream.linear.scatter [tilespmem:s30], [sflag:$0x2], $0x80, $0x38;
	[tilespmem:$0x19F10] =	vst v63  }
0x148: {  	_ =	swait.ge [sflag:s31], $0x80  }
0x149: {  	[sflag:s31] =	ssyncset.done $0x0  }
0x14a: {  	[sflag:s31] =	ssyncadd.s32 $0xFFFFFF80  }
0x14b: {  	p0 =	sne.s32 s3, $0x0;
	[bflag:$0x0] =	sbarrier.arrive $0xFFFF  }
0x14c: {  	_ =	sfence.sel @p0 $0x180000  }
0x14d: {  	[bflag:$0x0] =	sbarrier.arrive @p0 $0xFFFF  }
0x14e: {  	_ =	strace @p0 $0x90000047  }
0x14f: {  	s3 =	simm.s32 @!p0 $0x16C00;
	[bflag:$0x2] =	sbarrier.arrive @p0 $0xFFFF  }
0x150: {  	[tilespmem:s3], [sflag:$0x2] =	stream.linear.gather @!p0 [spmem:s2], $0x800, $0x38;
	[tilespmem:$0x19F10] =	vst v63  }
0x151: {  	s2 =	simm.s32 @!p0 $0x2  }
0x152: {  	_ =	swait.ge @!p0 [sflag:s2], $0x800  }
0x153: {  	[sflag:s2] =	ssyncset.done @!p0 $0x0  }
0x154: {  	[sflag:s2] =	ssyncadd.s32 @!p0 $0xFFFFF800  }
0x155: {  	v0 =	vld @!p0 [tilespmem:$0x16C00]  }
0x156: {  	v1 =	vld @!p0 [tilespmem:$0x16C80];
	_ =	sdelay $0x1  }
0x157: {  	v2 =	vld @!p0 [tilespmem:$0x16D00];
	_ =	sdelay $0x1  }
0x158: {  	v3 =	vld @!p0 [tilespmem:$0x16D80]  }
0x159: {  	v0 =	vadd.f32 @!p0 v1, v0  }
0x15a: {  	v1 =	vld @!p0 [tilespmem:$0x16E00]  }
0x15b: {  	v0 =	vadd.f32 @!p0 v2, v0  }
0x15c: {  	v2 =	vld @!p0 [tilespmem:$0x16E80]  }
0x15d: {  	v0 =	vadd.f32 @!p0 v3, v0  }
0x15e: {  	v3 =	vld @!p0 [tilespmem:$0x16F00]  }
0x15f: {  	v0 =	vadd.f32 @!p0 v1, v0  }
0x160: {  	v1 =	vld @!p0 [tilespmem:$0x16F80]  }
0x161: {  	v0 =	vadd.f32 @!p0 v2, v0  }
0x162: {  	v2 =	vld @!p0 [tilespmem:$0x17000]  }
0x163: {  	v0 =	vadd.f32 @!p0 v3, v0  }
0x164: {  	v3 =	vld @!p0 [tilespmem:$0x17080]  }
0x165: {  	v0 =	vadd.f32 @!p0 v1, v0  }
0x166: {  	v1 =	vld @!p0 [tilespmem:$0x17100]  }
0x167: {  	v0 =	vadd.f32 @!p0 v2, v0  }
0x168: {  	v2 =	vld @!p0 [tilespmem:$0x17180]  }
0x169: {  	v0 =	vadd.f32 @!p0 v3, v0  }
0x16a: {  	v3 =	vld @!p0 [tilespmem:$0x17200]  }
0x16b: {  	v0 =	vadd.f32 @!p0 v1, v0  }
0x16c: {  	v1 =	vld @!p0 [tilespmem:$0x17280]  }
0x16d: {  	v0 =	vadd.f32 @!p0 v2, v0  }
0x16e: {  	v2 =	vld @!p0 [tilespmem:$0x17300]  }
0x16f: {  	v0 =	vadd.f32 @!p0 v3, v0  }
0x170: {  	v3 =	vld @!p0 [tilespmem:$0x17380]  }
0x171: {  	v0 =	vadd.f32 @!p0 v1, v0;
	_ =	sdelay $0x1  }
0x172: {  	v0 =	vadd.f32 @!p0 v2, v0;
	_ =	sdelay $0x1  }
0x173: {  	v0 =	vadd.f32 @!p0 v3, v0;
	_ =	sdelay $0x1  }
0x174: {  	(xrf2) =	vadd.scan.msk.f32 @!p0 $0xffff, v0;
	_ =	sdelay $0x9  }
0x175: {  	v0, _, _ =	vpop @!p0 (xrf2)  }
0x176: {  	v0 =	vsub.f32 @!p0 $0.0e+00, v0;
	_ =	sdelay $0x1  }
0x177: {  	v0 =	vmul.f32 @!p0 $1.442695020e+00, v0;
	_ =	sdelay $0x1  }
0x178: {  	v0 =	vbroadcast @!p0 v0, $0xF;
	_ =	sdelay $0x1  }
0x179: {  	(erf) = vpow2.f32 @!p0 v0;
	_ =	sdelay $0x8  }
0x17a: {  	v0 =	vpop @!p0 (erf)  }
0x17b: {  	v0 =	vadd.f32 @!p0 $1.000000000e+00, v0;
	_ =	sdelay $0x1  }
0x17c: {  	(erf) = vrcp.f32 @!p0 v0;
	_ =	sdelay $0x8  }
0x17d: {  	v0 =	vpop @!p0 (erf)  }
0x17e: {  	s4 =	simm.s32 @!p0 $0x17400;
	s3 =	simm.s32 @!p0 $0x0;
	[tilespmem:$0x17400] =	vst @!p0 v0  }
0x17f: {  	[hbm4b:s1+s3] =	stream.linear.scatter @!p0 [tilespmem:s4], [sflag:$0x2], $0x80, $0x38;
	[tilespmem:$0x19F10] =	vst v63  }
0x180: {  	_ =	swait.ge @!p0 [sflag:s2], $0x80  }
0x181: {  	[sflag:s2] =	ssyncset.done @!p0 $0x0  }
0x182: {  	[sflag:s2] =	ssyncadd.s32 @!p0 $0xFFFFFF80  }
0x183: {  	_ =	sfence.sel @!p0 $0x180000  }
0x184: {  	[bflag:$0x0] =	sbarrier.arrive @!p0 $0xFFFF  }
0x185: {  	_ =	strace @!p0 $0x90000047  }
0x186: {  	s0 =	sadd.s32 @!p0 $0x100000, s0;
	[bflag:$0x2] =	sbarrier.arrive @!p0 $0xFFFF  }
0x187: {  	[sflag:s0] =	ssyncadd.tile.s32 @!p0 $0x1;
	_ =	shalt  }
.Lfunc_end2:
_tile_overlayer_lowered:
.L_overlay_start_2:
0x188: {  	(tag) =	ssettag $0x2  }
0x189: {  	s0 =	rddreg [dreg:$0x0];
	s2 =	stileid.u32  }
0x18a: {  	s1 =	rddreg [dreg:$0x1];
	p0 =	sne.s32 s2, $0x0  }
0x18b: {  	s3 =	rddreg [dreg:$0x2];
	[bflag:$0x3] =	sbarrier.arrive $0xFFFF;
	s2 =	simm.s32 @!p0 $0x1C02  }
0x18c: {  	[timem:s3], [sflag:s2] =	dma.local @!p0 [hbm:s0], s1  }
0x18d: {  	s0 =	simm.s32 @!p0 $0x2  }
0x18e: {  	_ =	swait.ge @!p0 [sflag:s0], s1  }
0x18f: {  	s1 =	ssub.s32 @!p0 $0x0, s1;
	[sflag:s0] =	ssyncset.done @!p0 $0x0  }
0x190: {  	[sflag:s0] =	ssyncadd.s32 @!p0 s1  }
0x191: {  	[bflag:$0x3] =	sbarrier.arrive $0xFFFF  }
0x192: {  	_ =	shalt  }

</sc_bundles>
